<compile_context>
chip_gen: v7x
topology: tpu7x:2x2x1
jax: 0.10.2.dev20260603
libtpu: 0.0.44.dev20260713+nightly
codegen_flags: <defaults>
</compile_context>

<pallas_src>
import functools

import numpy as np

import jax
import jax.numpy as jnp
from jax import lax
from jax.experimental import pallas as pl
from jax.experimental.pallas import tpu as pltpu
from jax.experimental.pallas import tpu_sc as plsc

_H = 128
_NSLOT = 6
_TROWS = _NSLOT * 5 * 256
_NW = 32
_CHUNK = 64
_Z = np.int32(0)


def _build_table(params):
    pa, plg, pm, pf, ps = (params["alu"], params["logic"], params["move"],
                           params["flow"], params["stack"])
    ins = [
        pa["emb_byte"], pa["emb_carry"], pa["emb_op"], pa["W1"],
        pa["b1"].reshape(1, _H),
        plg["emb_op"], plg["W1"], plg["b1"].reshape(1, _H),
        pm["emb_byte"], pm["emb_op"], pm["W1"], pm["b1"].reshape(1, _H),
        pf["emb_op"], pf["W1"], pf["b1"].reshape(1, _H),
        ps["emb_byte"], ps["emb_op"], ps["W1"], ps["b1"].reshape(1, _H),
    ]

    def body(eba, eca, eoa, w1a, b1a, eol, w1l, b1l, ebm, eom, w1m, b1m,
             eof, w1f, b1f, ebs, eos, w1s, b1s, out_ref):
        f32 = jnp.float32
        vi = lax.broadcasted_iota(jnp.int32, (256, 1), 0)
        bits = jnp.concatenate(
            [((vi >> k) & 1).astype(f32) for k in range(8)], axis=1)
        par = (vi & 1).astype(f32)
        EBA, ECA, EOA, W1A = eba[...], eca[...], eoa[...], w1a[...]
        EOL, W1L = eol[...], w1l[...]
        EBM, EOM, W1M = ebm[...], eom[...], w1m[...]
        EOF, W1F = eof[...], w1f[...]
        EBS, EOS, W1S = ebs[...], eos[...], w1s[...]
        B1A, B1L, B1M, B1F, B1S = b1a[...], b1l[...], b1m[...], b1f[...], b1s[...]
        carry_exp = jnp.where((vi & 1) == 1, ECA[1:2, :], ECA[0:1, :])

        def dot(a, b):
            return jnp.dot(a, b, preferred_element_type=f32)

        Z = jnp.zeros((256, _H), f32)
        blocks = [
            dot(EBA, W1A[0:64]), dot(bits, W1L[0:8]),
            dot(EBM, W1M[0:64]), dot(bits, W1F[0:8]), dot(EBS, W1S[0:64]),
            dot(EBA, W1A[64:128]), dot(bits, W1L[8:16]),
            dot(EBM, W1M[64:128]), dot(bits, W1F[8:16]), dot(EBS, W1S[64:128]),
            dot(carry_exp, W1A[128:192]), par * W1L[16:17],
            dot(EBM, W1M[128:192]), dot(bits, W1F[16:24]), dot(EBS, W1S[128:192]),
            dot(EOA, W1A[192:256]) + B1A, dot(EOL, W1L[17:81]) + B1L,
            dot(EBM, W1M[192:256]), dot(bits, W1F[24:32]), dot(bits, W1S[192:200]),
            Z, Z, dot(EOM, W1M[256:320]) + B1M,
            dot(bits, W1F[32:40]), dot(EBS, W1S[200:264]),
            Z, Z, Z, dot(EOF, W1F[40:104]) + B1F, dot(EOS, W1S[264:328]) + B1S,
        ]
        out_ref[...] = jnp.concatenate(blocks, axis=0)

    return pl.pallas_call(
        body,
        out_shape=jax.ShapeDtypeStruct((_TROWS, _H), jnp.float32),
    )(*ins)


def _sc_stage(reg_list, fumap, table):
    Bn = reg_list[0].shape[0]
    BW = Bn // _NW
    nch = BW // _CHUNK
    mesh = plsc.VectorSubcoreMesh(core_axis_name="c", subcore_axis_name="s",
                                  num_cores=2, num_subcores=16)

    @functools.partial(
        pl.kernel,
        out_type=(jax.ShapeDtypeStruct((Bn, _H), jnp.float32),
                  jax.ShapeDtypeStruct((Bn,), jnp.float32)),
        mesh=mesh,
        scratch_types=[
            [pltpu.VMEM((BW,), jnp.int32) for _ in range(9)],
            pltpu.VMEM((256,), jnp.int32),
            pltpu.VMEM((nch * _NSLOT * _CHUNK,), jnp.int32),
            pltpu.VMEM((BW,), jnp.float32),
            [pltpu.VMEM((_CHUNK, _H), jnp.float32) for _ in range(_NSLOT)],
            pltpu.VMEM((_CHUNK, _H), jnp.float32),
            pltpu.SemaphoreType.DMA,
        ],
        compiler_params=pltpu.CompilerParams(needs_layout_passes=False),
    )
    def sc_k(a_h, x_h, y_h, sp_h, p_h, pch_h, pcl_h, op_h, val_h,
             fumap_hbm, table_hbm, h_hbm, fuf_hbm,
             rv, fm, idxv, fub, gb, acc, sem):
        cid = lax.axis_index("c")
        sid = lax.axis_index("s")
        wid = sid * 2 + cid
        base = wid * BW
        regs_hbm = (a_h, x_h, y_h, sp_h, p_h, pch_h, pcl_h, op_h, val_h)
        for j in range(9):
            pltpu.sync_copy(regs_hbm[j].at[pl.ds(base, BW)], rv[j])
        pltpu.sync_copy(fumap_hbm, fm)

        def grp(g, carry):
            off = g * 16
            a = rv[0][pl.ds(off, 16)]
            x = rv[1][pl.ds(off, 16)]
            y = rv[2][pl.ds(off, 16)]
            sp = rv[3][pl.ds(off, 16)]
            p = rv[4][pl.ds(off, 16)]
            pch = rv[5][pl.ds(off, 16)]
            pcl = rv[6][pl.ds(off, 16)]
            op = rv[7][pl.ds(off, 16)]
            val = rv[8][pl.ds(off, 16)]
            fu = plsc.load_gather(fm, [op])
            fub[pl.ds(off, 16)] = fu.astype(jnp.float32)
            fb = fu * 256
            lo = fu <= 1
            i0 = jnp.where(fu == 3, pcl, a)
            i1 = jnp.where(lo, val, jnp.where(fu == 3, pch, x))
            i2 = jnp.where(fu == 2, y, jnp.where(fu == 4, sp, p))
            i3 = jnp.where(lo, op, jnp.where(fu == 4, p, val))
            i4 = jnp.where(fu == 2, op, jnp.where(fu == 3, sp, val))
            i5 = op
            k = g // (_CHUNK // 16)
            col = (g % (_CHUNK // 16)) * 16
            cbase = k * _NSLOT * _CHUNK + col
            idxv[pl.ds(cbase + 0 * _CHUNK, 16)] = i0 + fb
            idxv[pl.ds(cbase + 1 * _CHUNK, 16)] = i1 + fb + 1280
            idxv[pl.ds(cbase + 2 * _CHUNK, 16)] = i2 + fb + 2560
            idxv[pl.ds(cbase + 3 * _CHUNK, 16)] = i3 + fb + 3840
            idxv[pl.ds(cbase + 4 * _CHUNK, 16)] = i4 + fb + 5120
            idxv[pl.ds(cbase + 5 * _CHUNK, 16)] = i5 + fb + 6400
            return carry

        lax.fori_loop(jnp.int32(0), jnp.int32(BW // 16), grp, jnp.int32(0))

        def chunk(k, carry):
            cps = [
                pltpu.async_copy(
                    table_hbm.at[idxv.at[pl.ds(k * (_NSLOT * _CHUNK)
                                               + s * _CHUNK, _CHUNK)]],
                    gb[s], sem)
                for s in range(_NSLOT)
            ]
            for cp in cps:
                cp.wait()

            def vec(i, c2):
                r = i // (_H // 16)
                c = (i % (_H // 16)) * 16
                v = (gb[0][r, pl.ds(c, 16)] + gb[1][r, pl.ds(c, 16)]
                     + gb[2][r, pl.ds(c, 16)] + gb[3][r, pl.ds(c, 16)]
                     + gb[4][r, pl.ds(c, 16)] + gb[5][r, pl.ds(c, 16)])
                acc[r, pl.ds(c, 16)] = jnp.maximum(v, jnp.float32(0.0))
                return c2

            lax.fori_loop(jnp.int32(0), jnp.int32(_CHUNK * _H // 16), vec,
                          jnp.int32(0))
            pltpu.sync_copy(acc, h_hbm.at[pl.ds(base + k * _CHUNK, _CHUNK)])
            return carry

        lax.fori_loop(jnp.int32(0), jnp.int32(nch), chunk, jnp.int32(0))
        pltpu.sync_copy(fub, fuf_hbm.at[pl.ds(base, BW)])

    return sc_k(*reg_list, fumap, table)


def _tc_stage(h, fuf2, w2, b2):
    Bn = h.shape[0]
    blk = 2048
    grid = Bn // blk

    def body(h_ref, fu_ref, w2_ref, b2_ref, out_ref):
        f32 = jnp.float32
        hb = h_ref[...]
        fv = fu_ref[...]
        acc = jnp.zeros((blk, 264), f32)
        for f in range(5):
            m = (fv == jnp.float32(f)).astype(f32)
            acc = acc + jnp.dot(hb * m, w2_ref[f], preferred_element_type=f32)
            acc = acc + m * b2_ref[f][None]
        out_ref[...] = acc

    return pl.pallas_call(
        body,
        grid=(grid,),
        in_specs=[
            pl.BlockSpec((blk, _H), lambda i: (i, _Z)),
            pl.BlockSpec((blk, 1), lambda i: (i, _Z)),
            pl.BlockSpec((5, _H, 264), lambda i: (_Z, _Z, _Z)),
            pl.BlockSpec((5, 264), lambda i: (_Z, _Z)),
        ],
        out_specs=pl.BlockSpec((blk, 264), lambda i: (i, _Z)),
        out_shape=jax.ShapeDtypeStruct((Bn, 264), jnp.float32),
    )(h, fuf2, w2, b2)


def kernel(A, X, Y, SP, P, PCH, PCL, Op, Val, fu_map, params):
    reg_list = [r.astype(jnp.int32) for r in
                (A, X, Y, SP, P, PCH, PCL, Op, Val)]
    fumap32 = fu_map.astype(jnp.int32)
    table = _build_table(params)
    h, fuf = _sc_stage(reg_list, fumap32, table)
    names = ["alu", "logic", "move", "flow", "stack"]
    w2 = jnp.stack([jnp.concatenate([params[n]["W2r"], params[n]["W2f"]],
                                    axis=1) for n in names])
    b2 = jnp.stack([jnp.concatenate([params[n]["b2r"], params[n]["b2f"]])
                    for n in names])
    Bn = reg_list[0].shape[0]
    return _tc_stage(h, fuf.reshape(Bn, 1), w2, b2)

# --- scband reference (transcript-rebuilt; emitter-appended) ---
"""Pipeline reference for scband-swarm6502-21208548507705 (READ-ONLY COPY).

The authoritative reference and input builder live on the scoring server;
editing this copy changes nothing except your own understanding.
"""

import jax, jax.numpy as jnp
import numpy as np
jax.config.update("jax_enable_x64", True)

D = 64
H = 128
B = 65536

def _bits(x, n):
    return ((x[:, None] >> jnp.arange(n)) & 1).astype(jnp.float32)

def _mlp_params(k, in_dim):
    k1, k2, k3 = jax.random.split(k, 3)
    return {
        "W1": (jax.random.normal(k1, (in_dim, H)) * 0.05).astype(jnp.float32),
        "b1": jnp.zeros((H,), jnp.float32),
        "W2r": (jax.random.normal(k2, (H, 256)) * 0.05).astype(jnp.float32),
        "b2r": jnp.zeros((256,), jnp.float32),
        "W2f": (jax.random.normal(k3, (H, 8)) * 0.05).astype(jnp.float32),
        "b2f": jnp.zeros((8,), jnp.float32),
    }

def setup_inputs(seed: int = 0):
    key = jax.random.key(seed)
    names = ["A", "X", "Y", "SP", "P", "PCH", "PCL", "Op", "Val"]
    inp = {}
    for i, nm in enumerate(names):
        inp[nm] = jax.random.randint(jax.random.fold_in(key, i), (B,), 0, 256, dtype=jnp.int64)
    inp["fu_map"] = jnp.asarray(np.arange(256) % 5, dtype=jnp.int64)
    pk = jax.random.fold_in(key, 100)
    ks = jax.random.split(pk, 20)
    def emb(k, n):
        return (jax.random.normal(k, (n, D)) * 0.05).astype(jnp.float32)
    params = {
        "alu": {"emb_byte": emb(ks[0], 256), "emb_carry": emb(ks[1], 2), "emb_op": emb(ks[2], 256), **_mlp_params(ks[3], 4 * D)},
        "logic": {"emb_op": emb(ks[4], 256), **_mlp_params(ks[5], 17 + D)},
        "move": {"emb_byte": emb(ks[6], 256), "emb_op": emb(ks[7], 256), **_mlp_params(ks[8], 5 * D)},
        "flow": {"emb_op": emb(ks[9], 256), **_mlp_params(ks[10], 40 + D)},
        "stack": {"emb_byte": emb(ks[11], 256), "emb_op": emb(ks[12], 256), **_mlp_params(ks[13], 5 * D + 8)},
    }
    inp["params"] = params
    return inp

def _head(p, f):
    h = jax.nn.relu(f @ p["W1"] + p["b1"])
    return h @ p["W2r"] + p["b2r"], h @ p["W2f"] + p["b2f"]

def _forward(params, A, X, Y, SP, P, PCH, PCL, Op, Val, fu_map):
    fu_ids = fu_map[Op]
    out = jnp.zeros((A.shape[0], 264), jnp.float32)
    for fu in range(5):
        if fu == 0:
            p = params["alu"]
            carry = (P >> 0) & 1
            f = jnp.concatenate([p["emb_byte"][A], p["emb_byte"][Val], p["emb_carry"][carry], p["emb_op"][Op]], axis=-1)
        elif fu == 1:
            p = params["logic"]
            carry = ((P >> 0) & 1).astype(jnp.float32)[:, None]
            f = jnp.concatenate([_bits(A, 8), _bits(Val, 8), carry, p["emb_op"][Op]], axis=-1)
        elif fu == 2:
            p = params["move"]
            f = jnp.concatenate([p["emb_byte"][A], p["emb_byte"][X], p["emb_byte"][Y], p["emb_byte"][Val], p["emb_op"][Op]], axis=-1)
        elif fu == 3:
            p = params["flow"]
            pc = (PCH << 8) | PCL
            f = jnp.concatenate([_bits(pc, 16), _bits(P, 8), _bits(Val, 8), _bits(SP, 8), p["emb_op"][Op]], axis=-1)
        else:
            p = params["stack"]
            f = jnp.concatenate([p["emb_byte"][A], p["emb_byte"][X], p["emb_byte"][SP], _bits(P, 8), p["emb_byte"][Val], p["emb_op"][Op]], axis=-1)
        r, fl = _head(p, f)
        mask = (fu_ids == fu)[:, None]
        out = jnp.where(mask, jnp.concatenate([r, fl], axis=-1), out)
    return out

def reference(A, X, Y, SP, P, PCH, PCL, Op, Val, fu_map, params):
    return _forward(params, A, X, Y, SP, P, PCH, PCL, Op, Val, fu_map)

if __name__ == "__main__":
    import jax
    _d = setup_inputs()
    print(jax.jit(kernel)(*tuple(_d.values())))

</pallas_src>

<mosaic_0001>
#map = affine_map<(d0, d1) -> (0)>
#map1 = affine_map<(d0, d1) -> (0, 0)>
module attributes {stable_mosaic.version = 14 : i64} {
  func.func @sc_k(%arg0: i32, %arg1: i32, %arg2: memref<65536xi32, #tpu.memory_space<hbm>>, %arg3: memref<65536xi32, #tpu.memory_space<hbm>>, %arg4: memref<65536xi32, #tpu.memory_space<hbm>>, %arg5: memref<65536xi32, #tpu.memory_space<hbm>>, %arg6: memref<65536xi32, #tpu.memory_space<hbm>>, %arg7: memref<65536xi32, #tpu.memory_space<hbm>>, %arg8: memref<65536xi32, #tpu.memory_space<hbm>>, %arg9: memref<65536xi32, #tpu.memory_space<hbm>>, %arg10: memref<65536xi32, #tpu.memory_space<hbm>>, %arg11: memref<256xi32, #tpu.memory_space<hbm>>, %arg12: memref<7680x128xf32, #tpu.memory_space<hbm>>, %arg13: memref<65536x128xf32, #tpu.memory_space<hbm>>, %arg14: memref<65536xf32, #tpu.memory_space<hbm>>, %arg15: memref<2048xi32, #tpu.memory_space<vmem>>, %arg16: memref<2048xi32, #tpu.memory_space<vmem>>, %arg17: memref<2048xi32, #tpu.memory_space<vmem>>, %arg18: memref<2048xi32, #tpu.memory_space<vmem>>, %arg19: memref<2048xi32, #tpu.memory_space<vmem>>, %arg20: memref<2048xi32, #tpu.memory_space<vmem>>, %arg21: memref<2048xi32, #tpu.memory_space<vmem>>, %arg22: memref<2048xi32, #tpu.memory_space<vmem>>, %arg23: memref<2048xi32, #tpu.memory_space<vmem>>, %arg24: memref<256xi32, #tpu.memory_space<vmem>>, %arg25: memref<12288xi32, #tpu.memory_space<vmem>>, %arg26: memref<2048xf32, #tpu.memory_space<vmem>>, %arg27: memref<64x128xf32, #tpu.memory_space<vmem>>, %arg28: memref<64x128xf32, #tpu.memory_space<vmem>>, %arg29: memref<64x128xf32, #tpu.memory_space<vmem>>, %arg30: memref<64x128xf32, #tpu.memory_space<vmem>>, %arg31: memref<64x128xf32, #tpu.memory_space<vmem>>, %arg32: memref<64x128xf32, #tpu.memory_space<vmem>>, %arg33: memref<64x128xf32, #tpu.memory_space<vmem>>, %arg34: memref<!tpu.dma_semaphore, #tpu.memory_space<semaphore_mem>>) attributes {dimension_semantics = [#tpu.dimension_semantics<core_parallel>, #tpu.dimension_semantics<subcore_parallel>], iteration_bounds = array<i64: 2, 16>, scalar_prefetch = 0 : i64, scratch_operands = 20 : i64, tpu.core_type = #tpu.core_type<sc_vector_subcore>, window_params = [{transform_indices = #map}, {transform_indices = #map}, {transform_indices = #map}, {transform_indices = #map}, {transform_indices = #map}, {transform_indices = #map}, {transform_indices = #map}, {transform_indices = #map}, {transform_indices = #map}, {transform_indices = #map}, {transform_indices = #map1}, {transform_indices = #map1}, {transform_indices = #map}]} {
    %mul3A = arith.constant 2 : i32
    %mul3A_0 = arith.muli %arg1, %mul3A : i32
    %add3A = arith.addi %mul3A_0, %arg0 : i32
    %mul3A_1 = arith.constant 2048 : i32
    %mul3A_2 = arith.muli %add3A, %mul3A_1 : i32
    "tpu.region"() ({
      %run_scoped3A = tpu.sem_alloc : memref<!tpu.dma_semaphore, #tpu.memory_space<semaphore_mem>>
      %dma_start3A = tpu.memref_slice %arg2[%mul3A_2] : memref<65536xi32, #tpu.memory_space<hbm>> -> memref<2048xi32, #tpu.memory_space<hbm>>
      %dma_start3A_24 = tpu.memref_slice %arg2[%mul3A_2] : memref<65536xi32, #tpu.memory_space<hbm>> -> memref<2048xi32, #tpu.memory_space<hbm>>
      tpu.enqueue_dma source(%dma_start3A_24 : memref<2048xi32, #tpu.memory_space<hbm>>) target(%arg15 : memref<2048xi32, #tpu.memory_space<vmem>>) target_semaphore(%run_scoped3A : memref<!tpu.dma_semaphore, #tpu.memory_space<semaphore_mem>>)
      %dma_wait3A = tpu.memref_slice %arg2[%mul3A_2] : memref<65536xi32, #tpu.memory_space<hbm>> -> memref<2048xi32, #tpu.memory_space<hbm>>
      %dma_wait3A_25 = tpu.memref_slice %arg2[%mul3A_2] : memref<65536xi32, #tpu.memory_space<hbm>> -> memref<2048xi32, #tpu.memory_space<hbm>>
      tpu.wait_dma2 semaphore(%run_scoped3A : memref<!tpu.dma_semaphore, #tpu.memory_space<semaphore_mem>>) src(%dma_wait3A_25 : memref<2048xi32, #tpu.memory_space<hbm>>) dst(%arg15 : memref<2048xi32, #tpu.memory_space<vmem>>)
      tpu.yield
    }) : () -> ()
    "tpu.region"() ({
      %run_scoped3A = tpu.sem_alloc : memref<!tpu.dma_semaphore, #tpu.memory_space<semaphore_mem>>
      %dma_start3A = tpu.memref_slice %arg3[%mul3A_2] : memref<65536xi32, #tpu.memory_space<hbm>> -> memref<2048xi32, #tpu.memory_space<hbm>>
      %dma_start3A_24 = tpu.memref_slice %arg3[%mul3A_2] : memref<65536xi32, #tpu.memory_space<hbm>> -> memref<2048xi32, #tpu.memory_space<hbm>>
      tpu.enqueue_dma source(%dma_start3A_24 : memref<2048xi32, #tpu.memory_space<hbm>>) target(%arg16 : memref<2048xi32, #tpu.memory_space<vmem>>) target_semaphore(%run_scoped3A : memref<!tpu.dma_semaphore, #tpu.memory_space<semaphore_mem>>)
      %dma_wait3A = tpu.memref_slice %arg3[%mul3A_2] : memref<65536xi32, #tpu.memory_space<hbm>> -> memref<2048xi32, #tpu.memory_space<hbm>>
      %dma_wait3A_25 = tpu.memref_slice %arg3[%mul3A_2] : memref<65536xi32, #tpu.memory_space<hbm>> -> memref<2048xi32, #tpu.memory_space<hbm>>
      tpu.wait_dma2 semaphore(%run_scoped3A : memref<!tpu.dma_semaphore, #tpu.memory_space<semaphore_mem>>) src(%dma_wait3A_25 : memref<2048xi32, #tpu.memory_space<hbm>>) dst(%arg16 : memref<2048xi32, #tpu.memory_space<vmem>>)
      tpu.yield
    }) : () -> ()
    "tpu.region"() ({
      %run_scoped3A = tpu.sem_alloc : memref<!tpu.dma_semaphore, #tpu.memory_space<semaphore_mem>>
      %dma_start3A = tpu.memref_slice %arg4[%mul3A_2] : memref<65536xi32, #tpu.memory_space<hbm>> -> memref<2048xi32, #tpu.memory_space<hbm>>
      %dma_start3A_24 = tpu.memref_slice %arg4[%mul3A_2] : memref<65536xi32, #tpu.memory_space<hbm>> -> memref<2048xi32, #tpu.memory_space<hbm>>
      tpu.enqueue_dma source(%dma_start3A_24 : memref<2048xi32, #tpu.memory_space<hbm>>) target(%arg17 : memref<2048xi32, #tpu.memory_space<vmem>>) target_semaphore(%run_scoped3A : memref<!tpu.dma_semaphore, #tpu.memory_space<semaphore_mem>>)
      %dma_wait3A = tpu.memref_slice %arg4[%mul3A_2] : memref<65536xi32, #tpu.memory_space<hbm>> -> memref<2048xi32, #tpu.memory_space<hbm>>
      %dma_wait3A_25 = tpu.memref_slice %arg4[%mul3A_2] : memref<65536xi32, #tpu.memory_space<hbm>> -> memref<2048xi32, #tpu.memory_space<hbm>>
      tpu.wait_dma2 semaphore(%run_scoped3A : memref<!tpu.dma_semaphore, #tpu.memory_space<semaphore_mem>>) src(%dma_wait3A_25 : memref<2048xi32, #tpu.memory_space<hbm>>) dst(%arg17 : memref<2048xi32, #tpu.memory_space<vmem>>)
      tpu.yield
    }) : () -> ()
    "tpu.region"() ({
      %run_scoped3A = tpu.sem_alloc : memref<!tpu.dma_semaphore, #tpu.memory_space<semaphore_mem>>
      %dma_start3A = tpu.memref_slice %arg5[%mul3A_2] : memref<65536xi32, #tpu.memory_space<hbm>> -> memref<2048xi32, #tpu.memory_space<hbm>>
      %dma_start3A_24 = tpu.memref_slice %arg5[%mul3A_2] : memref<65536xi32, #tpu.memory_space<hbm>> -> memref<2048xi32, #tpu.memory_space<hbm>>
      tpu.enqueue_dma source(%dma_start3A_24 : memref<2048xi32, #tpu.memory_space<hbm>>) target(%arg18 : memref<2048xi32, #tpu.memory_space<vmem>>) target_semaphore(%run_scoped3A : memref<!tpu.dma_semaphore, #tpu.memory_space<semaphore_mem>>)
      %dma_wait3A = tpu.memref_slice %arg5[%mul3A_2] : memref<65536xi32, #tpu.memory_space<hbm>> -> memref<2048xi32, #tpu.memory_space<hbm>>
      %dma_wait3A_25 = tpu.memref_slice %arg5[%mul3A_2] : memref<65536xi32, #tpu.memory_space<hbm>> -> memref<2048xi32, #tpu.memory_space<hbm>>
      tpu.wait_dma2 semaphore(%run_scoped3A : memref<!tpu.dma_semaphore, #tpu.memory_space<semaphore_mem>>) src(%dma_wait3A_25 : memref<2048xi32, #tpu.memory_space<hbm>>) dst(%arg18 : memref<2048xi32, #tpu.memory_space<vmem>>)
      tpu.yield
    }) : () -> ()
    "tpu.region"() ({
      %run_scoped3A = tpu.sem_alloc : memref<!tpu.dma_semaphore, #tpu.memory_space<semaphore_mem>>
      %dma_start3A = tpu.memref_slice %arg6[%mul3A_2] : memref<65536xi32, #tpu.memory_space<hbm>> -> memref<2048xi32, #tpu.memory_space<hbm>>
      %dma_start3A_24 = tpu.memref_slice %arg6[%mul3A_2] : memref<65536xi32, #tpu.memory_space<hbm>> -> memref<2048xi32, #tpu.memory_space<hbm>>
      tpu.enqueue_dma source(%dma_start3A_24 : memref<2048xi32, #tpu.memory_space<hbm>>) target(%arg19 : memref<2048xi32, #tpu.memory_space<vmem>>) target_semaphore(%run_scoped3A : memref<!tpu.dma_semaphore, #tpu.memory_space<semaphore_mem>>)
      %dma_wait3A = tpu.memref_slice %arg6[%mul3A_2] : memref<65536xi32, #tpu.memory_space<hbm>> -> memref<2048xi32, #tpu.memory_space<hbm>>
      %dma_wait3A_25 = tpu.memref_slice %arg6[%mul3A_2] : memref<65536xi32, #tpu.memory_space<hbm>> -> memref<2048xi32, #tpu.memory_space<hbm>>
      tpu.wait_dma2 semaphore(%run_scoped3A : memref<!tpu.dma_semaphore, #tpu.memory_space<semaphore_mem>>) src(%dma_wait3A_25 : memref<2048xi32, #tpu.memory_space<hbm>>) dst(%arg19 : memref<2048xi32, #tpu.memory_space<vmem>>)
      tpu.yield
    }) : () -> ()
    "tpu.region"() ({
      %run_scoped3A = tpu.sem_alloc : memref<!tpu.dma_semaphore, #tpu.memory_space<semaphore_mem>>
      %dma_start3A = tpu.memref_slice %arg7[%mul3A_2] : memref<65536xi32, #tpu.memory_space<hbm>> -> memref<2048xi32, #tpu.memory_space<hbm>>
      %dma_start3A_24 = tpu.memref_slice %arg7[%mul3A_2] : memref<65536xi32, #tpu.memory_space<hbm>> -> memref<2048xi32, #tpu.memory_space<hbm>>
      tpu.enqueue_dma source(%dma_start3A_24 : memref<2048xi32, #tpu.memory_space<hbm>>) target(%arg20 : memref<2048xi32, #tpu.memory_space<vmem>>) target_semaphore(%run_scoped3A : memref<!tpu.dma_semaphore, #tpu.memory_space<semaphore_mem>>)
      %dma_wait3A = tpu.memref_slice %arg7[%mul3A_2] : memref<65536xi32, #tpu.memory_space<hbm>> -> memref<2048xi32, #tpu.memory_space<hbm>>
      %dma_wait3A_25 = tpu.memref_slice %arg7[%mul3A_2] : memref<65536xi32, #tpu.memory_space<hbm>> -> memref<2048xi32, #tpu.memory_space<hbm>>
      tpu.wait_dma2 semaphore(%run_scoped3A : memref<!tpu.dma_semaphore, #tpu.memory_space<semaphore_mem>>) src(%dma_wait3A_25 : memref<2048xi32, #tpu.memory_space<hbm>>) dst(%arg20 : memref<2048xi32, #tpu.memory_space<vmem>>)
      tpu.yield
    }) : () -> ()
    "tpu.region"() ({
      %run_scoped3A = tpu.sem_alloc : memref<!tpu.dma_semaphore, #tpu.memory_space<semaphore_mem>>
      %dma_start3A = tpu.memref_slice %arg8[%mul3A_2] : memref<65536xi32, #tpu.memory_space<hbm>> -> memref<2048xi32, #tpu.memory_space<hbm>>
      %dma_start3A_24 = tpu.memref_slice %arg8[%mul3A_2] : memref<65536xi32, #tpu.memory_space<hbm>> -> memref<2048xi32, #tpu.memory_space<hbm>>
      tpu.enqueue_dma source(%dma_start3A_24 : memref<2048xi32, #tpu.memory_space<hbm>>) target(%arg21 : memref<2048xi32, #tpu.memory_space<vmem>>) target_semaphore(%run_scoped3A : memref<!tpu.dma_semaphore, #tpu.memory_space<semaphore_mem>>)
      %dma_wait3A = tpu.memref_slice %arg8[%mul3A_2] : memref<65536xi32, #tpu.memory_space<hbm>> -> memref<2048xi32, #tpu.memory_space<hbm>>
      %dma_wait3A_25 = tpu.memref_slice %arg8[%mul3A_2] : memref<65536xi32, #tpu.memory_space<hbm>> -> memref<2048xi32, #tpu.memory_space<hbm>>
      tpu.wait_dma2 semaphore(%run_scoped3A : memref<!tpu.dma_semaphore, #tpu.memory_space<semaphore_mem>>) src(%dma_wait3A_25 : memref<2048xi32, #tpu.memory_space<hbm>>) dst(%arg21 : memref<2048xi32, #tpu.memory_space<vmem>>)
      tpu.yield
    }) : () -> ()
    "tpu.region"() ({
      %run_scoped3A = tpu.sem_alloc : memref<!tpu.dma_semaphore, #tpu.memory_space<semaphore_mem>>
      %dma_start3A = tpu.memref_slice %arg9[%mul3A_2] : memref<65536xi32, #tpu.memory_space<hbm>> -> memref<2048xi32, #tpu.memory_space<hbm>>
      %dma_start3A_24 = tpu.memref_slice %arg9[%mul3A_2] : memref<65536xi32, #tpu.memory_space<hbm>> -> memref<2048xi32, #tpu.memory_space<hbm>>
      tpu.enqueue_dma source(%dma_start3A_24 : memref<2048xi32, #tpu.memory_space<hbm>>) target(%arg22 : memref<2048xi32, #tpu.memory_space<vmem>>) target_semaphore(%run_scoped3A : memref<!tpu.dma_semaphore, #tpu.memory_space<semaphore_mem>>)
      %dma_wait3A = tpu.memref_slice %arg9[%mul3A_2] : memref<65536xi32, #tpu.memory_space<hbm>> -> memref<2048xi32, #tpu.memory_space<hbm>>
      %dma_wait3A_25 = tpu.memref_slice %arg9[%mul3A_2] : memref<65536xi32, #tpu.memory_space<hbm>> -> memref<2048xi32, #tpu.memory_space<hbm>>
      tpu.wait_dma2 semaphore(%run_scoped3A : memref<!tpu.dma_semaphore, #tpu.memory_space<semaphore_mem>>) src(%dma_wait3A_25 : memref<2048xi32, #tpu.memory_space<hbm>>) dst(%arg22 : memref<2048xi32, #tpu.memory_space<vmem>>)
      tpu.yield
    }) : () -> ()
    "tpu.region"() ({
      %run_scoped3A = tpu.sem_alloc : memref<!tpu.dma_semaphore, #tpu.memory_space<semaphore_mem>>
      %dma_start3A = tpu.memref_slice %arg10[%mul3A_2] : memref<65536xi32, #tpu.memory_space<hbm>> -> memref<2048xi32, #tpu.memory_space<hbm>>
      %dma_start3A_24 = tpu.memref_slice %arg10[%mul3A_2] : memref<65536xi32, #tpu.memory_space<hbm>> -> memref<2048xi32, #tpu.memory_space<hbm>>
      tpu.enqueue_dma source(%dma_start3A_24 : memref<2048xi32, #tpu.memory_space<hbm>>) target(%arg23 : memref<2048xi32, #tpu.memory_space<vmem>>) target_semaphore(%run_scoped3A : memref<!tpu.dma_semaphore, #tpu.memory_space<semaphore_mem>>)
      %dma_wait3A = tpu.memref_slice %arg10[%mul3A_2] : memref<65536xi32, #tpu.memory_space<hbm>> -> memref<2048xi32, #tpu.memory_space<hbm>>
      %dma_wait3A_25 = tpu.memref_slice %arg10[%mul3A_2] : memref<65536xi32, #tpu.memory_space<hbm>> -> memref<2048xi32, #tpu.memory_space<hbm>>
      tpu.wait_dma2 semaphore(%run_scoped3A : memref<!tpu.dma_semaphore, #tpu.memory_space<semaphore_mem>>) src(%dma_wait3A_25 : memref<2048xi32, #tpu.memory_space<hbm>>) dst(%arg23 : memref<2048xi32, #tpu.memory_space<vmem>>)
      tpu.yield
    }) : () -> ()
    "tpu.region"() ({
      %run_scoped3A = tpu.sem_alloc : memref<!tpu.dma_semaphore, #tpu.memory_space<semaphore_mem>>
      tpu.enqueue_dma source(%arg11 : memref<256xi32, #tpu.memory_space<hbm>>) target(%arg24 : memref<256xi32, #tpu.memory_space<vmem>>) target_semaphore(%run_scoped3A : memref<!tpu.dma_semaphore, #tpu.memory_space<semaphore_mem>>)
      tpu.wait_dma2 semaphore(%run_scoped3A : memref<!tpu.dma_semaphore, #tpu.memory_space<semaphore_mem>>) src(%arg11 : memref<256xi32, #tpu.memory_space<hbm>>) dst(%arg24 : memref<256xi32, #tpu.memory_space<vmem>>)
      tpu.yield
    }) : () -> ()
    %while3A = arith.constant 0 : i32
    %while3A_3 = arith.constant 0 : i32
    %while3A_4 = arith.constant 128 : i32
    %while3A_5 = arith.subi %while3A_4, %while3A_3 : i32
    %while3A_6 = arith.addi %while3A_3, %while3A_5 : i32
    %while3A_7 = arith.constant 1 : i32
    %while3A_8 = arith.divsi %while3A_5, %while3A_7 : i32
    %while3A_9 = arith.muli %while3A_8, %while3A_7 : i32
    %while3A_10 = arith.addi %while3A_3, %while3A_9 : i32
    %while3A_11 = arith.constant 1 : i32
    scf.for %while3A_24 = %while3A_3 to %while3A_10 step %while3A_11  : i32 {
      %mul3A_25 = arith.constant 16 : i32
      %mul3A_26 = arith.muli %while3A_24, %mul3A_25 : i32
      %get3A = arith.index_cast %mul3A_26 : i32 to index
      %get3A_27 = tpu.vector_load %arg15[%get3A] {strides = array<i32>} : memref<2048xi32, #tpu.memory_space<vmem>>, vector<16xi32>,
      %get3A_28 = arith.index_cast %mul3A_26 : i32 to index
      %get3A_29 = tpu.vector_load %arg16[%get3A_28] {strides = array<i32>} : memref<2048xi32, #tpu.memory_space<vmem>>, vector<16xi32>,
      %get3A_30 = arith.index_cast %mul3A_26 : i32 to index
      %get3A_31 = tpu.vector_load %arg17[%get3A_30] {strides = array<i32>} : memref<2048xi32, #tpu.memory_space<vmem>>, vector<16xi32>,
      %get3A_32 = arith.index_cast %mul3A_26 : i32 to index
      %get3A_33 = tpu.vector_load %arg18[%get3A_32] {strides = array<i32>} : memref<2048xi32, #tpu.memory_space<vmem>>, vector<16xi32>,
      %get3A_34 = arith.index_cast %mul3A_26 : i32 to index
      %get3A_35 = tpu.vector_load %arg19[%get3A_34] {strides = array<i32>} : memref<2048xi32, #tpu.memory_space<vmem>>, vector<16xi32>,
      %get3A_36 = arith.index_cast %mul3A_26 : i32 to index
      %get3A_37 = tpu.vector_load %arg20[%get3A_36] {strides = array<i32>} : memref<2048xi32, #tpu.memory_space<vmem>>, vector<16xi32>,
      %get3A_38 = arith.index_cast %mul3A_26 : i32 to index
      %get3A_39 = tpu.vector_load %arg21[%get3A_38] {strides = array<i32>} : memref<2048xi32, #tpu.memory_space<vmem>>, vector<16xi32>,
      %get3A_40 = arith.index_cast %mul3A_26 : i32 to index
      %get3A_41 = tpu.vector_load %arg22[%get3A_40] {strides = array<i32>} : memref<2048xi32, #tpu.memory_space<vmem>>, vector<16xi32>,
      %get3A_42 = arith.index_cast %mul3A_26 : i32 to index
      %get3A_43 = tpu.vector_load %arg23[%get3A_42] {strides = array<i32>} : memref<2048xi32, #tpu.memory_space<vmem>>, vector<16xi32>,
      %gather3A = tpu.vector_load_idx %arg24[%get3A_41] : memref<256xi32, #tpu.memory_space<vmem>>[vector<16xi32>], vector<16xi32>,
      %convert_element_type3A = arith.sitofp %gather3A : vector<16xi32> to vector<16xf32>
      %swap3A = arith.index_cast %mul3A_26 : i32 to index
      %swap3A_44 = tpu.vector_load %arg26[%swap3A] {strides = array<i32>} : memref<2048xf32, #tpu.memory_space<vmem>>, vector<16xf32>,
      tpu.vector_store %arg26[%swap3A], %convert_element_type3A {strides = array<i32>} : memref<2048xf32, #tpu.memory_space<vmem>>, vector<16xf32>,
      %mul3A_45 = arith.constant 256 : i32
      %mul3A_46 = vector.broadcast %mul3A_45 : i32 to vector<16xi32>
      %mul3A_47 = arith.muli %gather3A, %mul3A_46 : vector<16xi32>
      %le3A = arith.constant 1 : i32
      %le3A_48 = vector.broadcast %le3A : i32 to vector<16xi32>
      %le3A_49 = arith.cmpi sle, %gather3A, %le3A_48 : vector<16xi32>
      %eq3A = arith.constant 3 : i32
      %eq3A_50 = vector.broadcast %eq3A : i32 to vector<16xi32>
      %eq3A_51 = arith.cmpi eq, %gather3A, %eq3A_50 : vector<16xi32>
      %select_n3A = arith.select %eq3A_51, %get3A_39, %get3A_27 : vector<16xi1>, vector<16xi32>
      %eq3A_52 = arith.constant 3 : i32
      %eq3A_53 = vector.broadcast %eq3A_52 : i32 to vector<16xi32>
      %eq3A_54 = arith.cmpi eq, %gather3A, %eq3A_53 : vector<16xi32>
      %select_n3A_55 = arith.select %eq3A_54, %get3A_37, %get3A_29 : vector<16xi1>, vector<16xi32>
      %select_n3A_56 = arith.select %le3A_49, %get3A_43, %select_n3A_55 : vector<16xi1>, vector<16xi32>
      %eq3A_57 = arith.constant 2 : i32
      %eq3A_58 = vector.broadcast %eq3A_57 : i32 to vector<16xi32>
      %eq3A_59 = arith.cmpi eq, %gather3A, %eq3A_58 : vector<16xi32>
      %eq3A_60 = arith.constant 4 : i32
      %eq3A_61 = vector.broadcast %eq3A_60 : i32 to vector<16xi32>
      %eq3A_62 = arith.cmpi eq, %gather3A, %eq3A_61 : vector<16xi32>
      %select_n3A_63 = arith.select %eq3A_62, %get3A_33, %get3A_35 : vector<16xi1>, vector<16xi32>
      %select_n3A_64 = arith.select %eq3A_59, %get3A_31, %select_n3A_63 : vector<16xi1>, vector<16xi32>
      %eq3A_65 = arith.constant 4 : i32
      %eq3A_66 = vector.broadcast %eq3A_65 : i32 to vector<16xi32>
      %eq3A_67 = arith.cmpi eq, %gather3A, %eq3A_66 : vector<16xi32>
      %select_n3A_68 = arith.select %eq3A_67, %get3A_35, %get3A_43 : vector<16xi1>, vector<16xi32>
      %select_n3A_69 = arith.select %le3A_49, %get3A_41, %select_n3A_68 : vector<16xi1>, vector<16xi32>
      %eq3A_70 = arith.constant 2 : i32
      %eq3A_71 = vector.broadcast %eq3A_70 : i32 to vector<16xi32>
      %eq3A_72 = arith.cmpi eq, %gather3A, %eq3A_71 : vector<16xi32>
      %eq3A_73 = arith.constant 3 : i32
      %eq3A_74 = vector.broadcast %eq3A_73 : i32 to vector<16xi32>
      %eq3A_75 = arith.cmpi eq, %gather3A, %eq3A_74 : vector<16xi32>
      %select_n3A_76 = arith.select %eq3A_75, %get3A_33, %get3A_43 : vector<16xi1>, vector<16xi32>
      %select_n3A_77 = arith.select %eq3A_72, %get3A_41, %select_n3A_76 : vector<16xi1>, vector<16xi32>
      %jit3A = arith.constant 4 : i64
      %convert_element_type3A_78 = arith.trunci %jit3A : i64 to i32
      %div3A = arith.divsi %while3A_24, %convert_element_type3A_78 : i32
      %sign3A = arith.constant 0 : i32
      %sign3A_79 = arith.cmpi sgt, %while3A_24, %sign3A : i32
      %sign3A_80 = arith.extui %sign3A_79 : i1 to i32
      %sign3A_81 = arith.constant 0 : i32
      %sign3A_82 = arith.cmpi slt, %while3A_24, %sign3A_81 : i32
      %sign3A_83 = arith.extui %sign3A_82 : i1 to i32
      %sign3A_84 = arith.subi %sign3A_80, %sign3A_83 : i32
      %sign3A_85 = arith.constant 0 : i32
      %sign3A_86 = arith.cmpi sgt, %convert_element_type3A_78, %sign3A_85 : i32
      %sign3A_87 = arith.extui %sign3A_86 : i1 to i32
      %sign3A_88 = arith.constant 0 : i32
      %sign3A_89 = arith.cmpi slt, %convert_element_type3A_78, %sign3A_88 : i32
      %sign3A_90 = arith.extui %sign3A_89 : i1 to i32
      %sign3A_91 = arith.subi %sign3A_87, %sign3A_90 : i32
      %ne3A = arith.cmpi ne, %sign3A_84, %sign3A_91 : i32
      %rem3A = arith.remsi %while3A_24, %convert_element_type3A_78 : i32
      %ne3A_92 = arith.constant 0 : i32
      %ne3A_93 = arith.cmpi ne, %rem3A, %ne3A_92 : i32
      %and3A = arith.andi %ne3A, %ne3A_93 : i1
      %sub3A = arith.constant 1 : i32
      %sub3A_94 = arith.subi %div3A, %sub3A : i32
      %select_n3A_95 = arith.select %and3A, %sub3A_94, %div3A : i32
      %jit3A_96 = arith.constant 4 : i64
      %convert_element_type3A_97 = arith.trunci %jit3A_96 : i64 to i32
      %eq3A_98 = arith.constant 0 : i32
      %eq3A_99 = arith.cmpi eq, %convert_element_type3A_97, %eq3A_98 : i32
      %jit3A_100 = arith.constant 1 : i32
      %select_n3A_101 = arith.select %eq3A_99, %jit3A_100, %convert_element_type3A_97 : i32
      %rem3A_102 = arith.remsi %while3A_24, %select_n3A_101 : i32
      %ne3A_103 = arith.constant 0 : i32
      %ne3A_104 = arith.cmpi ne, %rem3A_102, %ne3A_103 : i32
      %lt3A = arith.constant 0 : i32
      %lt3A_105 = arith.cmpi slt, %rem3A_102, %lt3A : i32
      %lt3A_106 = arith.constant 0 : i32
      %lt3A_107 = arith.cmpi slt, %select_n3A_101, %lt3A_106 : i32
      %ne3A_108 = arith.xori %lt3A_105, %lt3A_107 : i1
      %and3A_109 = arith.andi %ne3A_108, %ne3A_104 : i1
      %add3A_110 = arith.addi %rem3A_102, %select_n3A_101 : i32
      %select_n3A_111 = arith.select %and3A_109, %add3A_110, %rem3A_102 : i32
      %mul3A_112 = arith.constant 16 : i32
      %mul3A_113 = arith.muli %select_n3A_111, %mul3A_112 : i32
      %mul3A_114 = arith.constant 6 : i32
      %mul3A_115 = arith.muli %select_n3A_95, %mul3A_114 : i32
      %mul3A_116 = arith.constant 64 : i32
      %mul3A_117 = arith.muli %mul3A_115, %mul3A_116 : i32
      %add3A_118 = arith.addi %mul3A_117, %mul3A_113 : i32
      %add3A_119 = arith.addi %select_n3A, %mul3A_47 : vector<16xi32>
      %add3A_120 = arith.constant 0 : i32
      %add3A_121 = arith.addi %add3A_118, %add3A_120 : i32
      %swap3A_122 = arith.index_cast %add3A_121 : i32 to index
      %swap3A_123 = tpu.vector_load %arg25[%swap3A_122] {strides = array<i32>} : memref<12288xi32, #tpu.memory_space<vmem>>, vector<16xi32>,
      tpu.vector_store %arg25[%swap3A_122], %add3A_119 {strides = array<i32>} : memref<12288xi32, #tpu.memory_space<vmem>>, vector<16xi32>,
      %add3A_124 = arith.addi %select_n3A_56, %mul3A_47 : vector<16xi32>
      %add3A_125 = arith.constant 1280 : i32
      %add3A_126 = vector.broadcast %add3A_125 : i32 to vector<16xi32>
      %add3A_127 = arith.addi %add3A_124, %add3A_126 : vector<16xi32>
      %add3A_128 = arith.constant 64 : i32
      %add3A_129 = arith.addi %add3A_118, %add3A_128 : i32
      %swap3A_130 = arith.index_cast %add3A_129 : i32 to index
      %swap3A_131 = tpu.vector_load %arg25[%swap3A_130] {strides = array<i32>} : memref<12288xi32, #tpu.memory_space<vmem>>, vector<16xi32>,
      tpu.vector_store %arg25[%swap3A_130], %add3A_127 {strides = array<i32>} : memref<12288xi32, #tpu.memory_space<vmem>>, vector<16xi32>,
      %add3A_132 = arith.addi %select_n3A_64, %mul3A_47 : vector<16xi32>
      %add3A_133 = arith.constant 2560 : i32
      %add3A_134 = vector.broadcast %add3A_133 : i32 to vector<16xi32>
      %add3A_135 = arith.addi %add3A_132, %add3A_134 : vector<16xi32>
      %add3A_136 = arith.constant 128 : i32
      %add3A_137 = arith.addi %add3A_118, %add3A_136 : i32
      %swap3A_138 = arith.index_cast %add3A_137 : i32 to index
      %swap3A_139 = tpu.vector_load %arg25[%swap3A_138] {strides = array<i32>} : memref<12288xi32, #tpu.memory_space<vmem>>, vector<16xi32>,
      tpu.vector_store %arg25[%swap3A_138], %add3A_135 {strides = array<i32>} : memref<12288xi32, #tpu.memory_space<vmem>>, vector<16xi32>,
      %add3A_140 = arith.addi %select_n3A_69, %mul3A_47 : vector<16xi32>
      %add3A_141 = arith.constant 3840 : i32
      %add3A_142 = vector.broadcast %add3A_141 : i32 to vector<16xi32>
      %add3A_143 = arith.addi %add3A_140, %add3A_142 : vector<16xi32>
      %add3A_144 = arith.constant 192 : i32
      %add3A_145 = arith.addi %add3A_118, %add3A_144 : i32
      %swap3A_146 = arith.index_cast %add3A_145 : i32 to index
      %swap3A_147 = tpu.vector_load %arg25[%swap3A_146] {strides = array<i32>} : memref<12288xi32, #tpu.memory_space<vmem>>, vector<16xi32>,
      tpu.vector_store %arg25[%swap3A_146], %add3A_143 {strides = array<i32>} : memref<12288xi32, #tpu.memory_space<vmem>>, vector<16xi32>,
      %add3A_148 = arith.addi %select_n3A_77, %mul3A_47 : vector<16xi32>
      %add3A_149 = arith.constant 5120 : i32
      %add3A_150 = vector.broadcast %add3A_149 : i32 to vector<16xi32>
      %add3A_151 = arith.addi %add3A_148, %add3A_150 : vector<16xi32>
      %add3A_152 = arith.constant 256 : i32
      %add3A_153 = arith.addi %add3A_118, %add3A_152 : i32
      %swap3A_154 = arith.index_cast %add3A_153 : i32 to index
      %swap3A_155 = tpu.vector_load %arg25[%swap3A_154] {strides = array<i32>} : memref<12288xi32, #tpu.memory_space<vmem>>, vector<16xi32>,
      tpu.vector_store %arg25[%swap3A_154], %add3A_151 {strides = array<i32>} : memref<12288xi32, #tpu.memory_space<vmem>>, vector<16xi32>,
      %add3A_156 = arith.addi %get3A_41, %mul3A_47 : vector<16xi32>
      %add3A_157 = arith.constant 6400 : i32
      %add3A_158 = vector.broadcast %add3A_157 : i32 to vector<16xi32>
      %add3A_159 = arith.addi %add3A_156, %add3A_158 : vector<16xi32>
      %add3A_160 = arith.constant 320 : i32
      %add3A_161 = arith.addi %add3A_118, %add3A_160 : i32
      %swap3A_162 = arith.index_cast %add3A_161 : i32 to index
      %swap3A_163 = tpu.vector_load %arg25[%swap3A_162] {strides = array<i32>} : memref<12288xi32, #tpu.memory_space<vmem>>, vector<16xi32>,
      tpu.vector_store %arg25[%swap3A_162], %add3A_159 {strides = array<i32>} : memref<12288xi32, #tpu.memory_space<vmem>>, vector<16xi32>,
    }
    %while3A_12 = arith.constant 1 : i32
    scf.for %while3A_24 = %while3A_10 to %while3A_6 step %while3A_12  : i32 {
      %mul3A_25 = arith.constant 16 : i32
      %mul3A_26 = arith.muli %while3A_24, %mul3A_25 : i32
      %get3A = arith.index_cast %mul3A_26 : i32 to index
      %get3A_27 = tpu.vector_load %arg15[%get3A] {strides = array<i32>} : memref<2048xi32, #tpu.memory_space<vmem>>, vector<16xi32>,
      %get3A_28 = arith.index_cast %mul3A_26 : i32 to index
      %get3A_29 = tpu.vector_load %arg16[%get3A_28] {strides = array<i32>} : memref<2048xi32, #tpu.memory_space<vmem>>, vector<16xi32>,
      %get3A_30 = arith.index_cast %mul3A_26 : i32 to index
      %get3A_31 = tpu.vector_load %arg17[%get3A_30] {strides = array<i32>} : memref<2048xi32, #tpu.memory_space<vmem>>, vector<16xi32>,
      %get3A_32 = arith.index_cast %mul3A_26 : i32 to index
      %get3A_33 = tpu.vector_load %arg18[%get3A_32] {strides = array<i32>} : memref<2048xi32, #tpu.memory_space<vmem>>, vector<16xi32>,
      %get3A_34 = arith.index_cast %mul3A_26 : i32 to index
      %get3A_35 = tpu.vector_load %arg19[%get3A_34] {strides = array<i32>} : memref<2048xi32, #tpu.memory_space<vmem>>, vector<16xi32>,
      %get3A_36 = arith.index_cast %mul3A_26 : i32 to index
      %get3A_37 = tpu.vector_load %arg20[%get3A_36] {strides = array<i32>} : memref<2048xi32, #tpu.memory_space<vmem>>, vector<16xi32>,
      %get3A_38 = arith.index_cast %mul3A_26 : i32 to index
      %get3A_39 = tpu.vector_load %arg21[%get3A_38] {strides = array<i32>} : memref<2048xi32, #tpu.memory_space<vmem>>, vector<16xi32>,
      %get3A_40 = arith.index_cast %mul3A_26 : i32 to index
      %get3A_41 = tpu.vector_load %arg22[%get3A_40] {strides = array<i32>} : memref<2048xi32, #tpu.memory_space<vmem>>, vector<16xi32>,
      %get3A_42 = arith.index_cast %mul3A_26 : i32 to index
      %get3A_43 = tpu.vector_load %arg23[%get3A_42] {strides = array<i32>} : memref<2048xi32, #tpu.memory_space<vmem>>, vector<16xi32>,
      %gather3A = tpu.vector_load_idx %arg24[%get3A_41] : memref<256xi32, #tpu.memory_space<vmem>>[vector<16xi32>], vector<16xi32>,
      %convert_element_type3A = arith.sitofp %gather3A : vector<16xi32> to vector<16xf32>
      %swap3A = arith.index_cast %mul3A_26 : i32 to index
      %swap3A_44 = tpu.vector_load %arg26[%swap3A] {strides = array<i32>} : memref<2048xf32, #tpu.memory_space<vmem>>, vector<16xf32>,
      tpu.vector_store %arg26[%swap3A], %convert_element_type3A {strides = array<i32>} : memref<2048xf32, #tpu.memory_space<vmem>>, vector<16xf32>,
      %mul3A_45 = arith.constant 256 : i32
      %mul3A_46 = vector.broadcast %mul3A_45 : i32 to vector<16xi32>
      %mul3A_47 = arith.muli %gather3A, %mul3A_46 : vector<16xi32>
      %le3A = arith.constant 1 : i32
      %le3A_48 = vector.broadcast %le3A : i32 to vector<16xi32>
      %le3A_49 = arith.cmpi sle, %gather3A, %le3A_48 : vector<16xi32>
      %eq3A = arith.constant 3 : i32
      %eq3A_50 = vector.broadcast %eq3A : i32 to vector<16xi32>
      %eq3A_51 = arith.cmpi eq, %gather3A, %eq3A_50 : vector<16xi32>
      %select_n3A = arith.select %eq3A_51, %get3A_39, %get3A_27 : vector<16xi1>, vector<16xi32>
      %eq3A_52 = arith.constant 3 : i32
      %eq3A_53 = vector.broadcast %eq3A_52 : i32 to vector<16xi32>
      %eq3A_54 = arith.cmpi eq, %gather3A, %eq3A_53 : vector<16xi32>
      %select_n3A_55 = arith.select %eq3A_54, %get3A_37, %get3A_29 : vector<16xi1>, vector<16xi32>
      %select_n3A_56 = arith.select %le3A_49, %get3A_43, %select_n3A_55 : vector<16xi1>, vector<16xi32>
      %eq3A_57 = arith.constant 2 : i32
      %eq3A_58 = vector.broadcast %eq3A_57 : i32 to vector<16xi32>
      %eq3A_59 = arith.cmpi eq, %gather3A, %eq3A_58 : vector<16xi32>
      %eq3A_60 = arith.constant 4 : i32
      %eq3A_61 = vector.broadcast %eq3A_60 : i32 to vector<16xi32>
      %eq3A_62 = arith.cmpi eq, %gather3A, %eq3A_61 : vector<16xi32>
      %select_n3A_63 = arith.select %eq3A_62, %get3A_33, %get3A_35 : vector<16xi1>, vector<16xi32>
      %select_n3A_64 = arith.select %eq3A_59, %get3A_31, %select_n3A_63 : vector<16xi1>, vector<16xi32>
      %eq3A_65 = arith.constant 4 : i32
      %eq3A_66 = vector.broadcast %eq3A_65 : i32 to vector<16xi32>
      %eq3A_67 = arith.cmpi eq, %gather3A, %eq3A_66 : vector<16xi32>
      %select_n3A_68 = arith.select %eq3A_67, %get3A_35, %get3A_43 : vector<16xi1>, vector<16xi32>
      %select_n3A_69 = arith.select %le3A_49, %get3A_41, %select_n3A_68 : vector<16xi1>, vector<16xi32>
      %eq3A_70 = arith.constant 2 : i32
      %eq3A_71 = vector.broadcast %eq3A_70 : i32 to vector<16xi32>
      %eq3A_72 = arith.cmpi eq, %gather3A, %eq3A_71 : vector<16xi32>
      %eq3A_73 = arith.constant 3 : i32
      %eq3A_74 = vector.broadcast %eq3A_73 : i32 to vector<16xi32>
      %eq3A_75 = arith.cmpi eq, %gather3A, %eq3A_74 : vector<16xi32>
      %select_n3A_76 = arith.select %eq3A_75, %get3A_33, %get3A_43 : vector<16xi1>, vector<16xi32>
      %select_n3A_77 = arith.select %eq3A_72, %get3A_41, %select_n3A_76 : vector<16xi1>, vector<16xi32>
      %jit3A = arith.constant 4 : i64
      %convert_element_type3A_78 = arith.trunci %jit3A : i64 to i32
      %div3A = arith.divsi %while3A_24, %convert_element_type3A_78 : i32
      %sign3A = arith.constant 0 : i32
      %sign3A_79 = arith.cmpi sgt, %while3A_24, %sign3A : i32
      %sign3A_80 = arith.extui %sign3A_79 : i1 to i32
      %sign3A_81 = arith.constant 0 : i32
      %sign3A_82 = arith.cmpi slt, %while3A_24, %sign3A_81 : i32
      %sign3A_83 = arith.extui %sign3A_82 : i1 to i32
      %sign3A_84 = arith.subi %sign3A_80, %sign3A_83 : i32
      %sign3A_85 = arith.constant 0 : i32
      %sign3A_86 = arith.cmpi sgt, %convert_element_type3A_78, %sign3A_85 : i32
      %sign3A_87 = arith.extui %sign3A_86 : i1 to i32
      %sign3A_88 = arith.constant 0 : i32
      %sign3A_89 = arith.cmpi slt, %convert_element_type3A_78, %sign3A_88 : i32
      %sign3A_90 = arith.extui %sign3A_89 : i1 to i32
      %sign3A_91 = arith.subi %sign3A_87, %sign3A_90 : i32
      %ne3A = arith.cmpi ne, %sign3A_84, %sign3A_91 : i32
      %rem3A = arith.remsi %while3A_24, %convert_element_type3A_78 : i32
      %ne3A_92 = arith.constant 0 : i32
      %ne3A_93 = arith.cmpi ne, %rem3A, %ne3A_92 : i32
      %and3A = arith.andi %ne3A, %ne3A_93 : i1
      %sub3A = arith.constant 1 : i32
      %sub3A_94 = arith.subi %div3A, %sub3A : i32
      %select_n3A_95 = arith.select %and3A, %sub3A_94, %div3A : i32
      %jit3A_96 = arith.constant 4 : i64
      %convert_element_type3A_97 = arith.trunci %jit3A_96 : i64 to i32
      %eq3A_98 = arith.constant 0 : i32
      %eq3A_99 = arith.cmpi eq, %convert_element_type3A_97, %eq3A_98 : i32
      %jit3A_100 = arith.constant 1 : i32
      %select_n3A_101 = arith.select %eq3A_99, %jit3A_100, %convert_element_type3A_97 : i32
      %rem3A_102 = arith.remsi %while3A_24, %select_n3A_101 : i32
      %ne3A_103 = arith.constant 0 : i32
      %ne3A_104 = arith.cmpi ne, %rem3A_102, %ne3A_103 : i32
      %lt3A = arith.constant 0 : i32
      %lt3A_105 = arith.cmpi slt, %rem3A_102, %lt3A : i32
      %lt3A_106 = arith.constant 0 : i32
      %lt3A_107 = arith.cmpi slt, %select_n3A_101, %lt3A_106 : i32
      %ne3A_108 = arith.xori %lt3A_105, %lt3A_107 : i1
      %and3A_109 = arith.andi %ne3A_108, %ne3A_104 : i1
      %add3A_110 = arith.addi %rem3A_102, %select_n3A_101 : i32
      %select_n3A_111 = arith.select %and3A_109, %add3A_110, %rem3A_102 : i32
      %mul3A_112 = arith.constant 16 : i32
      %mul3A_113 = arith.muli %select_n3A_111, %mul3A_112 : i32
      %mul3A_114 = arith.constant 6 : i32
      %mul3A_115 = arith.muli %select_n3A_95, %mul3A_114 : i32
      %mul3A_116 = arith.constant 64 : i32
      %mul3A_117 = arith.muli %mul3A_115, %mul3A_116 : i32
      %add3A_118 = arith.addi %mul3A_117, %mul3A_113 : i32
      %add3A_119 = arith.addi %select_n3A, %mul3A_47 : vector<16xi32>
      %add3A_120 = arith.constant 0 : i32
      %add3A_121 = arith.addi %add3A_118, %add3A_120 : i32
      %swap3A_122 = arith.index_cast %add3A_121 : i32 to index
      %swap3A_123 = tpu.vector_load %arg25[%swap3A_122] {strides = array<i32>} : memref<12288xi32, #tpu.memory_space<vmem>>, vector<16xi32>,
      tpu.vector_store %arg25[%swap3A_122], %add3A_119 {strides = array<i32>} : memref<12288xi32, #tpu.memory_space<vmem>>, vector<16xi32>,
      %add3A_124 = arith.addi %select_n3A_56, %mul3A_47 : vector<16xi32>
      %add3A_125 = arith.constant 1280 : i32
      %add3A_126 = vector.broadcast %add3A_125 : i32 to vector<16xi32>
      %add3A_127 = arith.addi %add3A_124, %add3A_126 : vector<16xi32>
      %add3A_128 = arith.constant 64 : i32
      %add3A_129 = arith.addi %add3A_118, %add3A_128 : i32
      %swap3A_130 = arith.index_cast %add3A_129 : i32 to index
      %swap3A_131 = tpu.vector_load %arg25[%swap3A_130] {strides = array<i32>} : memref<12288xi32, #tpu.memory_space<vmem>>, vector<16xi32>,
      tpu.vector_store %arg25[%swap3A_130], %add3A_127 {strides = array<i32>} : memref<12288xi32, #tpu.memory_space<vmem>>, vector<16xi32>,
      %add3A_132 = arith.addi %select_n3A_64, %mul3A_47 : vector<16xi32>
      %add3A_133 = arith.constant 2560 : i32
      %add3A_134 = vector.broadcast %add3A_133 : i32 to vector<16xi32>
      %add3A_135 = arith.addi %add3A_132, %add3A_134 : vector<16xi32>
      %add3A_136 = arith.constant 128 : i32
      %add3A_137 = arith.addi %add3A_118, %add3A_136 : i32
      %swap3A_138 = arith.index_cast %add3A_137 : i32 to index
      %swap3A_139 = tpu.vector_load %arg25[%swap3A_138] {strides = array<i32>} : memref<12288xi32, #tpu.memory_space<vmem>>, vector<16xi32>,
      tpu.vector_store %arg25[%swap3A_138], %add3A_135 {strides = array<i32>} : memref<12288xi32, #tpu.memory_space<vmem>>, vector<16xi32>,
      %add3A_140 = arith.addi %select_n3A_69, %mul3A_47 : vector<16xi32>
      %add3A_141 = arith.constant 3840 : i32
      %add3A_142 = vector.broadcast %add3A_141 : i32 to vector<16xi32>
      %add3A_143 = arith.addi %add3A_140, %add3A_142 : vector<16xi32>
      %add3A_144 = arith.constant 192 : i32
      %add3A_145 = arith.addi %add3A_118, %add3A_144 : i32
      %swap3A_146 = arith.index_cast %add3A_145 : i32 to index
      %swap3A_147 = tpu.vector_load %arg25[%swap3A_146] {strides = array<i32>} : memref<12288xi32, #tpu.memory_space<vmem>>, vector<16xi32>,
      tpu.vector_store %arg25[%swap3A_146], %add3A_143 {strides = array<i32>} : memref<12288xi32, #tpu.memory_space<vmem>>, vector<16xi32>,
      %add3A_148 = arith.addi %select_n3A_77, %mul3A_47 : vector<16xi32>
      %add3A_149 = arith.constant 5120 : i32
      %add3A_150 = vector.broadcast %add3A_149 : i32 to vector<16xi32>
      %add3A_151 = arith.addi %add3A_148, %add3A_150 : vector<16xi32>
      %add3A_152 = arith.constant 256 : i32
      %add3A_153 = arith.addi %add3A_118, %add3A_152 : i32
      %swap3A_154 = arith.index_cast %add3A_153 : i32 to index
      %swap3A_155 = tpu.vector_load %arg25[%swap3A_154] {strides = array<i32>} : memref<12288xi32, #tpu.memory_space<vmem>>, vector<16xi32>,
      tpu.vector_store %arg25[%swap3A_154], %add3A_151 {strides = array<i32>} : memref<12288xi32, #tpu.memory_space<vmem>>, vector<16xi32>,
      %add3A_156 = arith.addi %get3A_41, %mul3A_47 : vector<16xi32>
      %add3A_157 = arith.constant 6400 : i32
      %add3A_158 = vector.broadcast %add3A_157 : i32 to vector<16xi32>
      %add3A_159 = arith.addi %add3A_156, %add3A_158 : vector<16xi32>
      %add3A_160 = arith.constant 320 : i32
      %add3A_161 = arith.addi %add3A_118, %add3A_160 : i32
      %swap3A_162 = arith.index_cast %add3A_161 : i32 to index
      %swap3A_163 = tpu.vector_load %arg25[%swap3A_162] {strides = array<i32>} : memref<12288xi32, #tpu.memory_space<vmem>>, vector<16xi32>,
      tpu.vector_store %arg25[%swap3A_162], %add3A_159 {strides = array<i32>} : memref<12288xi32, #tpu.memory_space<vmem>>, vector<16xi32>,
    }
    %while3A_13 = arith.constant 0 : i32
    %while3A_14 = arith.constant 0 : i32
    %while3A_15 = arith.constant 32 : i32
    %while3A_16 = arith.subi %while3A_15, %while3A_14 : i32
    %while3A_17 = arith.addi %while3A_14, %while3A_16 : i32
    %while3A_18 = arith.constant 1 : i32
    %while3A_19 = arith.divsi %while3A_16, %while3A_18 : i32
    %while3A_20 = arith.muli %while3A_19, %while3A_18 : i32
    %while3A_21 = arith.addi %while3A_14, %while3A_20 : i32
    %while3A_22 = arith.constant 1 : i32
    scf.for %while3A_24 = %while3A_14 to %while3A_21 step %while3A_22  : i32 {
      %mul3A_25 = arith.constant 384 : i32
      %mul3A_26 = arith.muli %while3A_24, %mul3A_25 : i32
      %add3A_27 = arith.constant 0 : i32
      %add3A_28 = arith.addi %mul3A_26, %add3A_27 : i32
      %dma_start3A = tpu.memref_slice %arg25[%add3A_28] : memref<12288xi32, #tpu.memory_space<vmem>> -> memref<64xi32, #tpu.memory_space<vmem>>
      %dma_start3A_29 = arith.constant 0 : i32
      %dma_start3A_30 = arith.constant 0 : i32
      %dma_start3A_31 = tpu.memref_slice %arg12[%dma_start3A_29, %dma_start3A_30] : memref<7680x128xf32, #tpu.memory_space<hbm>> -> memref<7680x128xf32, #tpu.memory_space<hbm>>
      tpu.enqueue_indirect_dma source(%dma_start3A_31 : memref<7680x128xf32, #tpu.memory_space<hbm>>) target(%arg27 : memref<64x128xf32, #tpu.memory_space<vmem>>) offsets(%dma_start3A : memref<64xi32, #tpu.memory_space<vmem>>) semaphore(%arg34 : memref<!tpu.dma_semaphore, #tpu.memory_space<semaphore_mem>>)
      %mul3A_32 = arith.constant 384 : i32
      %mul3A_33 = arith.muli %while3A_24, %mul3A_32 : i32
      %add3A_34 = arith.constant 64 : i32
      %add3A_35 = arith.addi %mul3A_33, %add3A_34 : i32
      %dma_start3A_36 = tpu.memref_slice %arg25[%add3A_35] : memref<12288xi32, #tpu.memory_space<vmem>> -> memref<64xi32, #tpu.memory_space<vmem>>
      %dma_start3A_37 = arith.constant 0 : i32
      %dma_start3A_38 = arith.constant 0 : i32
      %dma_start3A_39 = tpu.memref_slice %arg12[%dma_start3A_37, %dma_start3A_38] : memref<7680x128xf32, #tpu.memory_space<hbm>> -> memref<7680x128xf32, #tpu.memory_space<hbm>>
      tpu.enqueue_indirect_dma source(%dma_start3A_39 : memref<7680x128xf32, #tpu.memory_space<hbm>>) target(%arg28 : memref<64x128xf32, #tpu.memory_space<vmem>>) offsets(%dma_start3A_36 : memref<64xi32, #tpu.memory_space<vmem>>) semaphore(%arg34 : memref<!tpu.dma_semaphore, #tpu.memory_space<semaphore_mem>>)
      %mul3A_40 = arith.constant 384 : i32
      %mul3A_41 = arith.muli %while3A_24, %mul3A_40 : i32
      %add3A_42 = arith.constant 128 : i32
      %add3A_43 = arith.addi %mul3A_41, %add3A_42 : i32
      %dma_start3A_44 = tpu.memref_slice %arg25[%add3A_43] : memref<12288xi32, #tpu.memory_space<vmem>> -> memref<64xi32, #tpu.memory_space<vmem>>
      %dma_start3A_45 = arith.constant 0 : i32
      %dma_start3A_46 = arith.constant 0 : i32
      %dma_start3A_47 = tpu.memref_slice %arg12[%dma_start3A_45, %dma_start3A_46] : memref<7680x128xf32, #tpu.memory_space<hbm>> -> memref<7680x128xf32, #tpu.memory_space<hbm>>
      tpu.enqueue_indirect_dma source(%dma_start3A_47 : memref<7680x128xf32, #tpu.memory_space<hbm>>) target(%arg29 : memref<64x128xf32, #tpu.memory_space<vmem>>) offsets(%dma_start3A_44 : memref<64xi32, #tpu.memory_space<vmem>>) semaphore(%arg34 : memref<!tpu.dma_semaphore, #tpu.memory_space<semaphore_mem>>)
      %mul3A_48 = arith.constant 384 : i32
      %mul3A_49 = arith.muli %while3A_24, %mul3A_48 : i32
      %add3A_50 = arith.constant 192 : i32
      %add3A_51 = arith.addi %mul3A_49, %add3A_50 : i32
      %dma_start3A_52 = tpu.memref_slice %arg25[%add3A_51] : memref<12288xi32, #tpu.memory_space<vmem>> -> memref<64xi32, #tpu.memory_space<vmem>>
      %dma_start3A_53 = arith.constant 0 : i32
      %dma_start3A_54 = arith.constant 0 : i32
      %dma_start3A_55 = tpu.memref_slice %arg12[%dma_start3A_53, %dma_start3A_54] : memref<7680x128xf32, #tpu.memory_space<hbm>> -> memref<7680x128xf32, #tpu.memory_space<hbm>>
      tpu.enqueue_indirect_dma source(%dma_start3A_55 : memref<7680x128xf32, #tpu.memory_space<hbm>>) target(%arg30 : memref<64x128xf32, #tpu.memory_space<vmem>>) offsets(%dma_start3A_52 : memref<64xi32, #tpu.memory_space<vmem>>) semaphore(%arg34 : memref<!tpu.dma_semaphore, #tpu.memory_space<semaphore_mem>>)
      %mul3A_56 = arith.constant 384 : i32
      %mul3A_57 = arith.muli %while3A_24, %mul3A_56 : i32
      %add3A_58 = arith.constant 256 : i32
      %add3A_59 = arith.addi %mul3A_57, %add3A_58 : i32
      %dma_start3A_60 = tpu.memref_slice %arg25[%add3A_59] : memref<12288xi32, #tpu.memory_space<vmem>> -> memref<64xi32, #tpu.memory_space<vmem>>
      %dma_start3A_61 = arith.constant 0 : i32
      %dma_start3A_62 = arith.constant 0 : i32
      %dma_start3A_63 = tpu.memref_slice %arg12[%dma_start3A_61, %dma_start3A_62] : memref<7680x128xf32, #tpu.memory_space<hbm>> -> memref<7680x128xf32, #tpu.memory_space<hbm>>
      tpu.enqueue_indirect_dma source(%dma_start3A_63 : memref<7680x128xf32, #tpu.memory_space<hbm>>) target(%arg31 : memref<64x128xf32, #tpu.memory_space<vmem>>) offsets(%dma_start3A_60 : memref<64xi32, #tpu.memory_space<vmem>>) semaphore(%arg34 : memref<!tpu.dma_semaphore, #tpu.memory_space<semaphore_mem>>)
      %mul3A_64 = arith.constant 384 : i32
      %mul3A_65 = arith.muli %while3A_24, %mul3A_64 : i32
      %add3A_66 = arith.constant 320 : i32
      %add3A_67 = arith.addi %mul3A_65, %add3A_66 : i32
      %dma_start3A_68 = tpu.memref_slice %arg25[%add3A_67] : memref<12288xi32, #tpu.memory_space<vmem>> -> memref<64xi32, #tpu.memory_space<vmem>>
      %dma_start3A_69 = arith.constant 0 : i32
      %dma_start3A_70 = arith.constant 0 : i32
      %dma_start3A_71 = tpu.memref_slice %arg12[%dma_start3A_69, %dma_start3A_70] : memref<7680x128xf32, #tpu.memory_space<hbm>> -> memref<7680x128xf32, #tpu.memory_space<hbm>>
      tpu.enqueue_indirect_dma source(%dma_start3A_71 : memref<7680x128xf32, #tpu.memory_space<hbm>>) target(%arg32 : memref<64x128xf32, #tpu.memory_space<vmem>>) offsets(%dma_start3A_68 : memref<64xi32, #tpu.memory_space<vmem>>) semaphore(%arg34 : memref<!tpu.dma_semaphore, #tpu.memory_space<semaphore_mem>>)
      %dma_wait3A = tpu.memref_slice %arg25[%add3A_28] : memref<12288xi32, #tpu.memory_space<vmem>> -> memref<64xi32, #tpu.memory_space<vmem>>
      %dma_wait3A_72 = arith.constant 0 : i32
      %dma_wait3A_73 = arith.constant 0 : i32
      %dma_wait3A_74 = tpu.memref_slice %arg12[%dma_wait3A_72, %dma_wait3A_73] : memref<7680x128xf32, #tpu.memory_space<hbm>> -> memref<7680x128xf32, #tpu.memory_space<hbm>>
      tpu.wait_indirect_dma semaphore(%arg34 : memref<!tpu.dma_semaphore, #tpu.memory_space<semaphore_mem>>) src(%dma_wait3A_74 : memref<7680x128xf32, #tpu.memory_space<hbm>>) dst(%arg27 : memref<64x128xf32, #tpu.memory_space<vmem>>)
      %dma_wait3A_75 = tpu.memref_slice %arg25[%add3A_35] : memref<12288xi32, #tpu.memory_space<vmem>> -> memref<64xi32, #tpu.memory_space<vmem>>
      %dma_wait3A_76 = arith.constant 0 : i32
      %dma_wait3A_77 = arith.constant 0 : i32
      %dma_wait3A_78 = tpu.memref_slice %arg12[%dma_wait3A_76, %dma_wait3A_77] : memref<7680x128xf32, #tpu.memory_space<hbm>> -> memref<7680x128xf32, #tpu.memory_space<hbm>>
      tpu.wait_indirect_dma semaphore(%arg34 : memref<!tpu.dma_semaphore, #tpu.memory_space<semaphore_mem>>) src(%dma_wait3A_78 : memref<7680x128xf32, #tpu.memory_space<hbm>>) dst(%arg28 : memref<64x128xf32, #tpu.memory_space<vmem>>)
      %dma_wait3A_79 = tpu.memref_slice %arg25[%add3A_43] : memref<12288xi32, #tpu.memory_space<vmem>> -> memref<64xi32, #tpu.memory_space<vmem>>
      %dma_wait3A_80 = arith.constant 0 : i32
      %dma_wait3A_81 = arith.constant 0 : i32
      %dma_wait3A_82 = tpu.memref_slice %arg12[%dma_wait3A_80, %dma_wait3A_81] : memref<7680x128xf32, #tpu.memory_space<hbm>> -> memref<7680x128xf32, #tpu.memory_space<hbm>>
      tpu.wait_indirect_dma semaphore(%arg34 : memref<!tpu.dma_semaphore, #tpu.memory_space<semaphore_mem>>) src(%dma_wait3A_82 : memref<7680x128xf32, #tpu.memory_space<hbm>>) dst(%arg29 : memref<64x128xf32, #tpu.memory_space<vmem>>)
      %dma_wait3A_83 = tpu.memref_slice %arg25[%add3A_51] : memref<12288xi32, #tpu.memory_space<vmem>> -> memref<64xi32, #tpu.memory_space<vmem>>
      %dma_wait3A_84 = arith.constant 0 : i32
      %dma_wait3A_85 = arith.constant 0 : i32
      %dma_wait3A_86 = tpu.memref_slice %arg12[%dma_wait3A_84, %dma_wait3A_85] : memref<7680x128xf32, #tpu.memory_space<hbm>> -> memref<7680x128xf32, #tpu.memory_space<hbm>>
      tpu.wait_indirect_dma semaphore(%arg34 : memref<!tpu.dma_semaphore, #tpu.memory_space<semaphore_mem>>) src(%dma_wait3A_86 : memref<7680x128xf32, #tpu.memory_space<hbm>>) dst(%arg30 : memref<64x128xf32, #tpu.memory_space<vmem>>)
      %dma_wait3A_87 = tpu.memref_slice %arg25[%add3A_59] : memref<12288xi32, #tpu.memory_space<vmem>> -> memref<64xi32, #tpu.memory_space<vmem>>
      %dma_wait3A_88 = arith.constant 0 : i32
      %dma_wait3A_89 = arith.constant 0 : i32
      %dma_wait3A_90 = tpu.memref_slice %arg12[%dma_wait3A_88, %dma_wait3A_89] : memref<7680x128xf32, #tpu.memory_space<hbm>> -> memref<7680x128xf32, #tpu.memory_space<hbm>>
      tpu.wait_indirect_dma semaphore(%arg34 : memref<!tpu.dma_semaphore, #tpu.memory_space<semaphore_mem>>) src(%dma_wait3A_90 : memref<7680x128xf32, #tpu.memory_space<hbm>>) dst(%arg31 : memref<64x128xf32, #tpu.memory_space<vmem>>)
      %dma_wait3A_91 = tpu.memref_slice %arg25[%add3A_67] : memref<12288xi32, #tpu.memory_space<vmem>> -> memref<64xi32, #tpu.memory_space<vmem>>
      %dma_wait3A_92 = arith.constant 0 : i32
      %dma_wait3A_93 = arith.constant 0 : i32
      %dma_wait3A_94 = tpu.memref_slice %arg12[%dma_wait3A_92, %dma_wait3A_93] : memref<7680x128xf32, #tpu.memory_space<hbm>> -> memref<7680x128xf32, #tpu.memory_space<hbm>>
      tpu.wait_indirect_dma semaphore(%arg34 : memref<!tpu.dma_semaphore, #tpu.memory_space<semaphore_mem>>) src(%dma_wait3A_94 : memref<7680x128xf32, #tpu.memory_space<hbm>>) dst(%arg32 : memref<64x128xf32, #tpu.memory_space<vmem>>)
      %while3A_95 = arith.constant 0 : i32
      %while3A_96 = arith.constant 0 : i32
      %while3A_97 = arith.constant 512 : i32
      %while3A_98 = arith.subi %while3A_97, %while3A_96 : i32
      %while3A_99 = arith.addi %while3A_96, %while3A_98 : i32
      %while3A_100 = arith.constant 1 : i32
      %while3A_101 = arith.divsi %while3A_98, %while3A_100 : i32
      %while3A_102 = arith.muli %while3A_101, %while3A_100 : i32
      %while3A_103 = arith.addi %while3A_96, %while3A_102 : i32
      %while3A_104 = arith.constant 1 : i32
      scf.for %while3A_109 = %while3A_96 to %while3A_103 step %while3A_104  : i32 {
        %jit3A = arith.constant 8 : i64
        %convert_element_type3A = arith.trunci %jit3A : i64 to i32
        %div3A = arith.divsi %while3A_109, %convert_element_type3A : i32
        %sign3A = arith.constant 0 : i32
        %sign3A_110 = arith.cmpi sgt, %while3A_109, %sign3A : i32
        %sign3A_111 = arith.extui %sign3A_110 : i1 to i32
        %sign3A_112 = arith.constant 0 : i32
        %sign3A_113 = arith.cmpi slt, %while3A_109, %sign3A_112 : i32
        %sign3A_114 = arith.extui %sign3A_113 : i1 to i32
        %sign3A_115 = arith.subi %sign3A_111, %sign3A_114 : i32
        %sign3A_116 = arith.constant 0 : i32
        %sign3A_117 = arith.cmpi sgt, %convert_element_type3A, %sign3A_116 : i32
        %sign3A_118 = arith.extui %sign3A_117 : i1 to i32
        %sign3A_119 = arith.constant 0 : i32
        %sign3A_120 = arith.cmpi slt, %convert_element_type3A, %sign3A_119 : i32
        %sign3A_121 = arith.extui %sign3A_120 : i1 to i32
        %sign3A_122 = arith.subi %sign3A_118, %sign3A_121 : i32
        %ne3A = arith.cmpi ne, %sign3A_115, %sign3A_122 : i32
        %rem3A = arith.remsi %while3A_109, %convert_element_type3A : i32
        %ne3A_123 = arith.constant 0 : i32
        %ne3A_124 = arith.cmpi ne, %rem3A, %ne3A_123 : i32
        %and3A = arith.andi %ne3A, %ne3A_124 : i1
        %sub3A = arith.constant 1 : i32
        %sub3A_125 = arith.subi %div3A, %sub3A : i32
        %select_n3A = arith.select %and3A, %sub3A_125, %div3A : i32
        %jit3A_126 = arith.constant 8 : i64
        %convert_element_type3A_127 = arith.trunci %jit3A_126 : i64 to i32
        %eq3A = arith.constant 0 : i32
        %eq3A_128 = arith.cmpi eq, %convert_element_type3A_127, %eq3A : i32
        %jit3A_129 = arith.constant 1 : i32
        %select_n3A_130 = arith.select %eq3A_128, %jit3A_129, %convert_element_type3A_127 : i32
        %rem3A_131 = arith.remsi %while3A_109, %select_n3A_130 : i32
        %ne3A_132 = arith.constant 0 : i32
        %ne3A_133 = arith.cmpi ne, %rem3A_131, %ne3A_132 : i32
        %lt3A = arith.constant 0 : i32
        %lt3A_134 = arith.cmpi slt, %rem3A_131, %lt3A : i32
        %lt3A_135 = arith.constant 0 : i32
        %lt3A_136 = arith.cmpi slt, %select_n3A_130, %lt3A_135 : i32
        %ne3A_137 = arith.xori %lt3A_134, %lt3A_136 : i1
        %and3A_138 = arith.andi %ne3A_137, %ne3A_133 : i1
        %add3A_139 = arith.addi %rem3A_131, %select_n3A_130 : i32
        %select_n3A_140 = arith.select %and3A_138, %add3A_139, %rem3A_131 : i32
        %mul3A_141 = arith.constant 16 : i32
        %mul3A_142 = arith.muli %select_n3A_140, %mul3A_141 : i32
        %get3A = arith.index_cast %select_n3A : i32 to index
        %get3A_143 = arith.index_cast %mul3A_142 : i32 to index
        %get3A_144 = tpu.vector_load %arg27[%get3A, %get3A_143] {strides = array<i32>} : memref<64x128xf32, #tpu.memory_space<vmem>>, vector<16xf32>,
        %get3A_145 = arith.index_cast %select_n3A : i32 to index
        %get3A_146 = arith.index_cast %mul3A_142 : i32 to index
        %get3A_147 = tpu.vector_load %arg28[%get3A_145, %get3A_146] {strides = array<i32>} : memref<64x128xf32, #tpu.memory_space<vmem>>, vector<16xf32>,
        %add3A_148 = arith.addf %get3A_144, %get3A_147 : vector<16xf32>
        %get3A_149 = arith.index_cast %select_n3A : i32 to index
        %get3A_150 = arith.index_cast %mul3A_142 : i32 to index
        %get3A_151 = tpu.vector_load %arg29[%get3A_149, %get3A_150] {strides = array<i32>} : memref<64x128xf32, #tpu.memory_space<vmem>>, vector<16xf32>,
        %add3A_152 = arith.addf %add3A_148, %get3A_151 : vector<16xf32>
        %get3A_153 = arith.index_cast %select_n3A : i32 to index
        %get3A_154 = arith.index_cast %mul3A_142 : i32 to index
        %get3A_155 = tpu.vector_load %arg30[%get3A_153, %get3A_154] {strides = array<i32>} : memref<64x128xf32, #tpu.memory_space<vmem>>, vector<16xf32>,
        %add3A_156 = arith.addf %add3A_152, %get3A_155 : vector<16xf32>
        %get3A_157 = arith.index_cast %select_n3A : i32 to index
        %get3A_158 = arith.index_cast %mul3A_142 : i32 to index
        %get3A_159 = tpu.vector_load %arg31[%get3A_157, %get3A_158] {strides = array<i32>} : memref<64x128xf32, #tpu.memory_space<vmem>>, vector<16xf32>,
        %add3A_160 = arith.addf %add3A_156, %get3A_159 : vector<16xf32>
        %get3A_161 = arith.index_cast %select_n3A : i32 to index
        %get3A_162 = arith.index_cast %mul3A_142 : i32 to index
        %get3A_163 = tpu.vector_load %arg32[%get3A_161, %get3A_162] {strides = array<i32>} : memref<64x128xf32, #tpu.memory_space<vmem>>, vector<16xf32>,
        %add3A_164 = arith.addf %add3A_160, %get3A_163 : vector<16xf32>
        %max3A = arith.constant 0.000000e+00 : f32
        %max3A_165 = vector.broadcast %max3A : f32 to vector<16xf32>
        %max3A_166 = arith.maximumf %add3A_164, %max3A_165 : vector<16xf32>
        %swap3A = arith.index_cast %select_n3A : i32 to index
        %swap3A_167 = arith.index_cast %mul3A_142 : i32 to index
        %swap3A_168 = tpu.vector_load %arg33[%swap3A, %swap3A_167] {strides = array<i32>} : memref<64x128xf32, #tpu.memory_space<vmem>>, vector<16xf32>,
        tpu.vector_store %arg33[%swap3A, %swap3A_167], %max3A_166 {strides = array<i32>} : memref<64x128xf32, #tpu.memory_space<vmem>>, vector<16xf32>,
      }
      %while3A_105 = arith.constant 1 : i32
      scf.for %while3A_109 = %while3A_103 to %while3A_99 step %while3A_105  : i32 {
        %jit3A = arith.constant 8 : i64
        %convert_element_type3A = arith.trunci %jit3A : i64 to i32
        %div3A = arith.divsi %while3A_109, %convert_element_type3A : i32
        %sign3A = arith.constant 0 : i32
        %sign3A_110 = arith.cmpi sgt, %while3A_109, %sign3A : i32
        %sign3A_111 = arith.extui %sign3A_110 : i1 to i32
        %sign3A_112 = arith.constant 0 : i32
        %sign3A_113 = arith.cmpi slt, %while3A_109, %sign3A_112 : i32
        %sign3A_114 = arith.extui %sign3A_113 : i1 to i32
        %sign3A_115 = arith.subi %sign3A_111, %sign3A_114 : i32
        %sign3A_116 = arith.constant 0 : i32
        %sign3A_117 = arith.cmpi sgt, %convert_element_type3A, %sign3A_116 : i32
        %sign3A_118 = arith.extui %sign3A_117 : i1 to i32
        %sign3A_119 = arith.constant 0 : i32
        %sign3A_120 = arith.cmpi slt, %convert_element_type3A, %sign3A_119 : i32
        %sign3A_121 = arith.extui %sign3A_120 : i1 to i32
        %sign3A_122 = arith.subi %sign3A_118, %sign3A_121 : i32
        %ne3A = arith.cmpi ne, %sign3A_115, %sign3A_122 : i32
        %rem3A = arith.remsi %while3A_109, %convert_element_type3A : i32
        %ne3A_123 = arith.constant 0 : i32
        %ne3A_124 = arith.cmpi ne, %rem3A, %ne3A_123 : i32
        %and3A = arith.andi %ne3A, %ne3A_124 : i1
        %sub3A = arith.constant 1 : i32
        %sub3A_125 = arith.subi %div3A, %sub3A : i32
        %select_n3A = arith.select %and3A, %sub3A_125, %div3A : i32
        %jit3A_126 = arith.constant 8 : i64
        %convert_element_type3A_127 = arith.trunci %jit3A_126 : i64 to i32
        %eq3A = arith.constant 0 : i32
        %eq3A_128 = arith.cmpi eq, %convert_element_type3A_127, %eq3A : i32
        %jit3A_129 = arith.constant 1 : i32
        %select_n3A_130 = arith.select %eq3A_128, %jit3A_129, %convert_element_type3A_127 : i32
        %rem3A_131 = arith.remsi %while3A_109, %select_n3A_130 : i32
        %ne3A_132 = arith.constant 0 : i32
        %ne3A_133 = arith.cmpi ne, %rem3A_131, %ne3A_132 : i32
        %lt3A = arith.constant 0 : i32
        %lt3A_134 = arith.cmpi slt, %rem3A_131, %lt3A : i32
        %lt3A_135 = arith.constant 0 : i32
        %lt3A_136 = arith.cmpi slt, %select_n3A_130, %lt3A_135 : i32
        %ne3A_137 = arith.xori %lt3A_134, %lt3A_136 : i1
        %and3A_138 = arith.andi %ne3A_137, %ne3A_133 : i1
        %add3A_139 = arith.addi %rem3A_131, %select_n3A_130 : i32
        %select_n3A_140 = arith.select %and3A_138, %add3A_139, %rem3A_131 : i32
        %mul3A_141 = arith.constant 16 : i32
        %mul3A_142 = arith.muli %select_n3A_140, %mul3A_141 : i32
        %get3A = arith.index_cast %select_n3A : i32 to index
        %get3A_143 = arith.index_cast %mul3A_142 : i32 to index
        %get3A_144 = tpu.vector_load %arg27[%get3A, %get3A_143] {strides = array<i32>} : memref<64x128xf32, #tpu.memory_space<vmem>>, vector<16xf32>,
        %get3A_145 = arith.index_cast %select_n3A : i32 to index
        %get3A_146 = arith.index_cast %mul3A_142 : i32 to index
        %get3A_147 = tpu.vector_load %arg28[%get3A_145, %get3A_146] {strides = array<i32>} : memref<64x128xf32, #tpu.memory_space<vmem>>, vector<16xf32>,
        %add3A_148 = arith.addf %get3A_144, %get3A_147 : vector<16xf32>
        %get3A_149 = arith.index_cast %select_n3A : i32 to index
        %get3A_150 = arith.index_cast %mul3A_142 : i32 to index
        %get3A_151 = tpu.vector_load %arg29[%get3A_149, %get3A_150] {strides = array<i32>} : memref<64x128xf32, #tpu.memory_space<vmem>>, vector<16xf32>,
        %add3A_152 = arith.addf %add3A_148, %get3A_151 : vector<16xf32>
        %get3A_153 = arith.index_cast %select_n3A : i32 to index
        %get3A_154 = arith.index_cast %mul3A_142 : i32 to index
        %get3A_155 = tpu.vector_load %arg30[%get3A_153, %get3A_154] {strides = array<i32>} : memref<64x128xf32, #tpu.memory_space<vmem>>, vector<16xf32>,
        %add3A_156 = arith.addf %add3A_152, %get3A_155 : vector<16xf32>
        %get3A_157 = arith.index_cast %select_n3A : i32 to index
        %get3A_158 = arith.index_cast %mul3A_142 : i32 to index
        %get3A_159 = tpu.vector_load %arg31[%get3A_157, %get3A_158] {strides = array<i32>} : memref<64x128xf32, #tpu.memory_space<vmem>>, vector<16xf32>,
        %add3A_160 = arith.addf %add3A_156, %get3A_159 : vector<16xf32>
        %get3A_161 = arith.index_cast %select_n3A : i32 to index
        %get3A_162 = arith.index_cast %mul3A_142 : i32 to index
        %get3A_163 = tpu.vector_load %arg32[%get3A_161, %get3A_162] {strides = array<i32>} : memref<64x128xf32, #tpu.memory_space<vmem>>, vector<16xf32>,
        %add3A_164 = arith.addf %add3A_160, %get3A_163 : vector<16xf32>
        %max3A = arith.constant 0.000000e+00 : f32
        %max3A_165 = vector.broadcast %max3A : f32 to vector<16xf32>
        %max3A_166 = arith.maximumf %add3A_164, %max3A_165 : vector<16xf32>
        %swap3A = arith.index_cast %select_n3A : i32 to index
        %swap3A_167 = arith.index_cast %mul3A_142 : i32 to index
        %swap3A_168 = tpu.vector_load %arg33[%swap3A, %swap3A_167] {strides = array<i32>} : memref<64x128xf32, #tpu.memory_space<vmem>>, vector<16xf32>,
        tpu.vector_store %arg33[%swap3A, %swap3A_167], %max3A_166 {strides = array<i32>} : memref<64x128xf32, #tpu.memory_space<vmem>>, vector<16xf32>,
      }
      %mul3A_106 = arith.constant 64 : i32
      %mul3A_107 = arith.muli %while3A_24, %mul3A_106 : i32
      %add3A_108 = arith.addi %mul3A_2, %mul3A_107 : i32
      "tpu.region"() ({
        %run_scoped3A = tpu.sem_alloc : memref<!tpu.dma_semaphore, #tpu.memory_space<semaphore_mem>>
        %dma_start3A_109 = arith.constant 0 : i32
        %dma_start3A_110 = tpu.memref_slice %arg13[%add3A_108, %dma_start3A_109] : memref<65536x128xf32, #tpu.memory_space<hbm>> -> memref<64x128xf32, #tpu.memory_space<hbm>>
        %dma_start3A_111 = arith.constant 0 : i32
        %dma_start3A_112 = tpu.memref_slice %arg13[%add3A_108, %dma_start3A_111] : memref<65536x128xf32, #tpu.memory_space<hbm>> -> memref<64x128xf32, #tpu.memory_space<hbm>>
        tpu.enqueue_dma source(%arg33 : memref<64x128xf32, #tpu.memory_space<vmem>>) target(%dma_start3A_112 : memref<64x128xf32, #tpu.memory_space<hbm>>) target_semaphore(%run_scoped3A : memref<!tpu.dma_semaphore, #tpu.memory_space<semaphore_mem>>)
        %dma_wait3A_113 = arith.constant 0 : i32
        %dma_wait3A_114 = tpu.memref_slice %arg13[%add3A_108, %dma_wait3A_113] : memref<65536x128xf32, #tpu.memory_space<hbm>> -> memref<64x128xf32, #tpu.memory_space<hbm>>
        %dma_wait3A_115 = arith.constant 0 : i32
        %dma_wait3A_116 = tpu.memref_slice %arg13[%add3A_108, %dma_wait3A_115] : memref<65536x128xf32, #tpu.memory_space<hbm>> -> memref<64x128xf32, #tpu.memory_space<hbm>>
        tpu.wait_dma2 semaphore(%run_scoped3A : memref<!tpu.dma_semaphore, #tpu.memory_space<semaphore_mem>>) src(%arg33 : memref<64x128xf32, #tpu.memory_space<vmem>>) dst(%dma_wait3A_116 : memref<64x128xf32, #tpu.memory_space<hbm>>)
        tpu.yield
      }) : () -> ()
    }
    %while3A_23 = arith.constant 1 : i32
    scf.for %while3A_24 = %while3A_21 to %while3A_17 step %while3A_23  : i32 {
      %mul3A_25 = arith.constant 384 : i32
      %mul3A_26 = arith.muli %while3A_24, %mul3A_25 : i32
      %add3A_27 = arith.constant 0 : i32
      %add3A_28 = arith.addi %mul3A_26, %add3A_27 : i32
      %dma_start3A = tpu.memref_slice %arg25[%add3A_28] : memref<12288xi32, #tpu.memory_space<vmem>> -> memref<64xi32, #tpu.memory_space<vmem>>
      %dma_start3A_29 = arith.constant 0 : i32
      %dma_start3A_30 = arith.constant 0 : i32
      %dma_start3A_31 = tpu.memref_slice %arg12[%dma_start3A_29, %dma_start3A_30] : memref<7680x128xf32, #tpu.memory_space<hbm>> -> memref<7680x128xf32, #tpu.memory_space<hbm>>
      tpu.enqueue_indirect_dma source(%dma_start3A_31 : memref<7680x128xf32, #tpu.memory_space<hbm>>) target(%arg27 : memref<64x128xf32, #tpu.memory_space<vmem>>) offsets(%dma_start3A : memref<64xi32, #tpu.memory_space<vmem>>) semaphore(%arg34 : memref<!tpu.dma_semaphore, #tpu.memory_space<semaphore_mem>>)
      %mul3A_32 = arith.constant 384 : i32
      %mul3A_33 = arith.muli %while3A_24, %mul3A_32 : i32
      %add3A_34 = arith.constant 64 : i32
      %add3A_35 = arith.addi %mul3A_33, %add3A_34 : i32
      %dma_start3A_36 = tpu.memref_slice %arg25[%add3A_35] : memref<12288xi32, #tpu.memory_space<vmem>> -> memref<64xi32, #tpu.memory_space<vmem>>
      %dma_start3A_37 = arith.constant 0 : i32
      %dma_start3A_38 = arith.constant 0 : i32
      %dma_start3A_39 = tpu.memref_slice %arg12[%dma_start3A_37, %dma_start3A_38] : memref<7680x128xf32, #tpu.memory_space<hbm>> -> memref<7680x128xf32, #tpu.memory_space<hbm>>
      tpu.enqueue_indirect_dma source(%dma_start3A_39 : memref<7680x128xf32, #tpu.memory_space<hbm>>) target(%arg28 : memref<64x128xf32, #tpu.memory_space<vmem>>) offsets(%dma_start3A_36 : memref<64xi32, #tpu.memory_space<vmem>>) semaphore(%arg34 : memref<!tpu.dma_semaphore, #tpu.memory_space<semaphore_mem>>)
      %mul3A_40 = arith.constant 384 : i32
      %mul3A_41 = arith.muli %while3A_24, %mul3A_40 : i32
      %add3A_42 = arith.constant 128 : i32
      %add3A_43 = arith.addi %mul3A_41, %add3A_42 : i32
      %dma_start3A_44 = tpu.memref_slice %arg25[%add3A_43] : memref<12288xi32, #tpu.memory_space<vmem>> -> memref<64xi32, #tpu.memory_space<vmem>>
      %dma_start3A_45 = arith.constant 0 : i32
      %dma_start3A_46 = arith.constant 0 : i32
      %dma_start3A_47 = tpu.memref_slice %arg12[%dma_start3A_45, %dma_start3A_46] : memref<7680x128xf32, #tpu.memory_space<hbm>> -> memref<7680x128xf32, #tpu.memory_space<hbm>>
      tpu.enqueue_indirect_dma source(%dma_start3A_47 : memref<7680x128xf32, #tpu.memory_space<hbm>>) target(%arg29 : memref<64x128xf32, #tpu.memory_space<vmem>>) offsets(%dma_start3A_44 : memref<64xi32, #tpu.memory_space<vmem>>) semaphore(%arg34 : memref<!tpu.dma_semaphore, #tpu.memory_space<semaphore_mem>>)
      %mul3A_48 = arith.constant 384 : i32
      %mul3A_49 = arith.muli %while3A_24, %mul3A_48 : i32
      %add3A_50 = arith.constant 192 : i32
      %add3A_51 = arith.addi %mul3A_49, %add3A_50 : i32
      %dma_start3A_52 = tpu.memref_slice %arg25[%add3A_51] : memref<12288xi32, #tpu.memory_space<vmem>> -> memref<64xi32, #tpu.memory_space<vmem>>
      %dma_start3A_53 = arith.constant 0 : i32
      %dma_start3A_54 = arith.constant 0 : i32
      %dma_start3A_55 = tpu.memref_slice %arg12[%dma_start3A_53, %dma_start3A_54] : memref<7680x128xf32, #tpu.memory_space<hbm>> -> memref<7680x128xf32, #tpu.memory_space<hbm>>
      tpu.enqueue_indirect_dma source(%dma_start3A_55 : memref<7680x128xf32, #tpu.memory_space<hbm>>) target(%arg30 : memref<64x128xf32, #tpu.memory_space<vmem>>) offsets(%dma_start3A_52 : memref<64xi32, #tpu.memory_space<vmem>>) semaphore(%arg34 : memref<!tpu.dma_semaphore, #tpu.memory_space<semaphore_mem>>)
      %mul3A_56 = arith.constant 384 : i32
      %mul3A_57 = arith.muli %while3A_24, %mul3A_56 : i32
      %add3A_58 = arith.constant 256 : i32
      %add3A_59 = arith.addi %mul3A_57, %add3A_58 : i32
      %dma_start3A_60 = tpu.memref_slice %arg25[%add3A_59] : memref<12288xi32, #tpu.memory_space<vmem>> -> memref<64xi32, #tpu.memory_space<vmem>>
      %dma_start3A_61 = arith.constant 0 : i32
      %dma_start3A_62 = arith.constant 0 : i32
      %dma_start3A_63 = tpu.memref_slice %arg12[%dma_start3A_61, %dma_start3A_62] : memref<7680x128xf32, #tpu.memory_space<hbm>> -> memref<7680x128xf32, #tpu.memory_space<hbm>>
      tpu.enqueue_indirect_dma source(%dma_start3A_63 : memref<7680x128xf32, #tpu.memory_space<hbm>>) target(%arg31 : memref<64x128xf32, #tpu.memory_space<vmem>>) offsets(%dma_start3A_60 : memref<64xi32, #tpu.memory_space<vmem>>) semaphore(%arg34 : memref<!tpu.dma_semaphore, #tpu.memory_space<semaphore_mem>>)
      %mul3A_64 = arith.constant 384 : i32
      %mul3A_65 = arith.muli %while3A_24, %mul3A_64 : i32
      %add3A_66 = arith.constant 320 : i32
      %add3A_67 = arith.addi %mul3A_65, %add3A_66 : i32
      %dma_start3A_68 = tpu.memref_slice %arg25[%add3A_67] : memref<12288xi32, #tpu.memory_space<vmem>> -> memref<64xi32, #tpu.memory_space<vmem>>
      %dma_start3A_69 = arith.constant 0 : i32
      %dma_start3A_70 = arith.constant 0 : i32
      %dma_start3A_71 = tpu.memref_slice %arg12[%dma_start3A_69, %dma_start3A_70] : memref<7680x128xf32, #tpu.memory_space<hbm>> -> memref<7680x128xf32, #tpu.memory_space<hbm>>
      tpu.enqueue_indirect_dma source(%dma_start3A_71 : memref<7680x128xf32, #tpu.memory_space<hbm>>) target(%arg32 : memref<64x128xf32, #tpu.memory_space<vmem>>) offsets(%dma_start3A_68 : memref<64xi32, #tpu.memory_space<vmem>>) semaphore(%arg34 : memref<!tpu.dma_semaphore, #tpu.memory_space<semaphore_mem>>)
      %dma_wait3A = tpu.memref_slice %arg25[%add3A_28] : memref<12288xi32, #tpu.memory_space<vmem>> -> memref<64xi32, #tpu.memory_space<vmem>>
      %dma_wait3A_72 = arith.constant 0 : i32
      %dma_wait3A_73 = arith.constant 0 : i32
      %dma_wait3A_74 = tpu.memref_slice %arg12[%dma_wait3A_72, %dma_wait3A_73] : memref<7680x128xf32, #tpu.memory_space<hbm>> -> memref<7680x128xf32, #tpu.memory_space<hbm>>
      tpu.wait_indirect_dma semaphore(%arg34 : memref<!tpu.dma_semaphore, #tpu.memory_space<semaphore_mem>>) src(%dma_wait3A_74 : memref<7680x128xf32, #tpu.memory_space<hbm>>) dst(%arg27 : memref<64x128xf32, #tpu.memory_space<vmem>>)
      %dma_wait3A_75 = tpu.memref_slice %arg25[%add3A_35] : memref<12288xi32, #tpu.memory_space<vmem>> -> memref<64xi32, #tpu.memory_space<vmem>>
      %dma_wait3A_76 = arith.constant 0 : i32
      %dma_wait3A_77 = arith.constant 0 : i32
      %dma_wait3A_78 = tpu.memref_slice %arg12[%dma_wait3A_76, %dma_wait3A_77] : memref<7680x128xf32, #tpu.memory_space<hbm>> -> memref<7680x128xf32, #tpu.memory_space<hbm>>
      tpu.wait_indirect_dma semaphore(%arg34 : memref<!tpu.dma_semaphore, #tpu.memory_space<semaphore_mem>>) src(%dma_wait3A_78 : memref<7680x128xf32, #tpu.memory_space<hbm>>) dst(%arg28 : memref<64x128xf32, #tpu.memory_space<vmem>>)
      %dma_wait3A_79 = tpu.memref_slice %arg25[%add3A_43] : memref<12288xi32, #tpu.memory_space<vmem>> -> memref<64xi32, #tpu.memory_space<vmem>>
      %dma_wait3A_80 = arith.constant 0 : i32
      %dma_wait3A_81 = arith.constant 0 : i32
      %dma_wait3A_82 = tpu.memref_slice %arg12[%dma_wait3A_80, %dma_wait3A_81] : memref<7680x128xf32, #tpu.memory_space<hbm>> -> memref<7680x128xf32, #tpu.memory_space<hbm>>
      tpu.wait_indirect_dma semaphore(%arg34 : memref<!tpu.dma_semaphore, #tpu.memory_space<semaphore_mem>>) src(%dma_wait3A_82 : memref<7680x128xf32, #tpu.memory_space<hbm>>) dst(%arg29 : memref<64x128xf32, #tpu.memory_space<vmem>>)
      %dma_wait3A_83 = tpu.memref_slice %arg25[%add3A_51] : memref<12288xi32, #tpu.memory_space<vmem>> -> memref<64xi32, #tpu.memory_space<vmem>>
      %dma_wait3A_84 = arith.constant 0 : i32
      %dma_wait3A_85 = arith.constant 0 : i32
      %dma_wait3A_86 = tpu.memref_slice %arg12[%dma_wait3A_84, %dma_wait3A_85] : memref<7680x128xf32, #tpu.memory_space<hbm>> -> memref<7680x128xf32, #tpu.memory_space<hbm>>
      tpu.wait_indirect_dma semaphore(%arg34 : memref<!tpu.dma_semaphore, #tpu.memory_space<semaphore_mem>>) src(%dma_wait3A_86 : memref<7680x128xf32, #tpu.memory_space<hbm>>) dst(%arg30 : memref<64x128xf32, #tpu.memory_space<vmem>>)
      %dma_wait3A_87 = tpu.memref_slice %arg25[%add3A_59] : memref<12288xi32, #tpu.memory_space<vmem>> -> memref<64xi32, #tpu.memory_space<vmem>>
      %dma_wait3A_88 = arith.constant 0 : i32
      %dma_wait3A_89 = arith.constant 0 : i32
      %dma_wait3A_90 = tpu.memref_slice %arg12[%dma_wait3A_88, %dma_wait3A_89] : memref<7680x128xf32, #tpu.memory_space<hbm>> -> memref<7680x128xf32, #tpu.memory_space<hbm>>
      tpu.wait_indirect_dma semaphore(%arg34 : memref<!tpu.dma_semaphore, #tpu.memory_space<semaphore_mem>>) src(%dma_wait3A_90 : memref<7680x128xf32, #tpu.memory_space<hbm>>) dst(%arg31 : memref<64x128xf32, #tpu.memory_space<vmem>>)
      %dma_wait3A_91 = tpu.memref_slice %arg25[%add3A_67] : memref<12288xi32, #tpu.memory_space<vmem>> -> memref<64xi32, #tpu.memory_space<vmem>>
      %dma_wait3A_92 = arith.constant 0 : i32
      %dma_wait3A_93 = arith.constant 0 : i32
      %dma_wait3A_94 = tpu.memref_slice %arg12[%dma_wait3A_92, %dma_wait3A_93] : memref<7680x128xf32, #tpu.memory_space<hbm>> -> memref<7680x128xf32, #tpu.memory_space<hbm>>
      tpu.wait_indirect_dma semaphore(%arg34 : memref<!tpu.dma_semaphore, #tpu.memory_space<semaphore_mem>>) src(%dma_wait3A_94 : memref<7680x128xf32, #tpu.memory_space<hbm>>) dst(%arg32 : memref<64x128xf32, #tpu.memory_space<vmem>>)
      %while3A_95 = arith.constant 0 : i32
      %while3A_96 = arith.constant 0 : i32
      %while3A_97 = arith.constant 512 : i32
      %while3A_98 = arith.subi %while3A_97, %while3A_96 : i32
      %while3A_99 = arith.addi %while3A_96, %while3A_98 : i32
      %while3A_100 = arith.constant 1 : i32
      %while3A_101 = arith.divsi %while3A_98, %while3A_100 : i32
      %while3A_102 = arith.muli %while3A_101, %while3A_100 : i32
      %while3A_103 = arith.addi %while3A_96, %while3A_102 : i32
      %while3A_104 = arith.constant 1 : i32
      scf.for %while3A_109 = %while3A_96 to %while3A_103 step %while3A_104  : i32 {
        %jit3A = arith.constant 8 : i64
        %convert_element_type3A = arith.trunci %jit3A : i64 to i32
        %div3A = arith.divsi %while3A_109, %convert_element_type3A : i32
        %sign3A = arith.constant 0 : i32
        %sign3A_110 = arith.cmpi sgt, %while3A_109, %sign3A : i32
        %sign3A_111 = arith.extui %sign3A_110 : i1 to i32
        %sign3A_112 = arith.constant 0 : i32
        %sign3A_113 = arith.cmpi slt, %while3A_109, %sign3A_112 : i32
        %sign3A_114 = arith.extui %sign3A_113 : i1 to i32
        %sign3A_115 = arith.subi %sign3A_111, %sign3A_114 : i32
        %sign3A_116 = arith.constant 0 : i32
        %sign3A_117 = arith.cmpi sgt, %convert_element_type3A, %sign3A_116 : i32
        %sign3A_118 = arith.extui %sign3A_117 : i1 to i32
        %sign3A_119 = arith.constant 0 : i32
        %sign3A_120 = arith.cmpi slt, %convert_element_type3A, %sign3A_119 : i32
        %sign3A_121 = arith.extui %sign3A_120 : i1 to i32
        %sign3A_122 = arith.subi %sign3A_118, %sign3A_121 : i32
        %ne3A = arith.cmpi ne, %sign3A_115, %sign3A_122 : i32
        %rem3A = arith.remsi %while3A_109, %convert_element_type3A : i32
        %ne3A_123 = arith.constant 0 : i32
        %ne3A_124 = arith.cmpi ne, %rem3A, %ne3A_123 : i32
        %and3A = arith.andi %ne3A, %ne3A_124 : i1
        %sub3A = arith.constant 1 : i32
        %sub3A_125 = arith.subi %div3A, %sub3A : i32
        %select_n3A = arith.select %and3A, %sub3A_125, %div3A : i32
        %jit3A_126 = arith.constant 8 : i64
        %convert_element_type3A_127 = arith.trunci %jit3A_126 : i64 to i32
        %eq3A = arith.constant 0 : i32
        %eq3A_128 = arith.cmpi eq, %convert_element_type3A_127, %eq3A : i32
        %jit3A_129 = arith.constant 1 : i32
        %select_n3A_130 = arith.select %eq3A_128, %jit3A_129, %convert_element_type3A_127 : i32
        %rem3A_131 = arith.remsi %while3A_109, %select_n3A_130 : i32
        %ne3A_132 = arith.constant 0 : i32
        %ne3A_133 = arith.cmpi ne, %rem3A_131, %ne3A_132 : i32
        %lt3A = arith.constant 0 : i32
        %lt3A_134 = arith.cmpi slt, %rem3A_131, %lt3A : i32
        %lt3A_135 = arith.constant 0 : i32
        %lt3A_136 = arith.cmpi slt, %select_n3A_130, %lt3A_135 : i32
        %ne3A_137 = arith.xori %lt3A_134, %lt3A_136 : i1
        %and3A_138 = arith.andi %ne3A_137, %ne3A_133 : i1
        %add3A_139 = arith.addi %rem3A_131, %select_n3A_130 : i32
        %select_n3A_140 = arith.select %and3A_138, %add3A_139, %rem3A_131 : i32
        %mul3A_141 = arith.constant 16 : i32
        %mul3A_142 = arith.muli %select_n3A_140, %mul3A_141 : i32
        %get3A = arith.index_cast %select_n3A : i32 to index
        %get3A_143 = arith.index_cast %mul3A_142 : i32 to index
        %get3A_144 = tpu.vector_load %arg27[%get3A, %get3A_143] {strides = array<i32>} : memref<64x128xf32, #tpu.memory_space<vmem>>, vector<16xf32>,
        %get3A_145 = arith.index_cast %select_n3A : i32 to index
        %get3A_146 = arith.index_cast %mul3A_142 : i32 to index
        %get3A_147 = tpu.vector_load %arg28[%get3A_145, %get3A_146] {strides = array<i32>} : memref<64x128xf32, #tpu.memory_space<vmem>>, vector<16xf32>,
        %add3A_148 = arith.addf %get3A_144, %get3A_147 : vector<16xf32>
        %get3A_149 = arith.index_cast %select_n3A : i32 to index
        %get3A_150 = arith.index_cast %mul3A_142 : i32 to index
        %get3A_151 = tpu.vector_load %arg29[%get3A_149, %get3A_150] {strides = array<i32>} : memref<64x128xf32, #tpu.memory_space<vmem>>, vector<16xf32>,
        %add3A_152 = arith.addf %add3A_148, %get3A_151 : vector<16xf32>
        %get3A_153 = arith.index_cast %select_n3A : i32 to index
        %get3A_154 = arith.index_cast %mul3A_142 : i32 to index
        %get3A_155 = tpu.vector_load %arg30[%get3A_153, %get3A_154] {strides = array<i32>} : memref<64x128xf32, #tpu.memory_space<vmem>>, vector<16xf32>,
        %add3A_156 = arith.addf %add3A_152, %get3A_155 : vector<16xf32>
        %get3A_157 = arith.index_cast %select_n3A : i32 to index
        %get3A_158 = arith.index_cast %mul3A_142 : i32 to index
        %get3A_159 = tpu.vector_load %arg31[%get3A_157, %get3A_158] {strides = array<i32>} : memref<64x128xf32, #tpu.memory_space<vmem>>, vector<16xf32>,
        %add3A_160 = arith.addf %add3A_156, %get3A_159 : vector<16xf32>
        %get3A_161 = arith.index_cast %select_n3A : i32 to index
        %get3A_162 = arith.index_cast %mul3A_142 : i32 to index
        %get3A_163 = tpu.vector_load %arg32[%get3A_161, %get3A_162] {strides = array<i32>} : memref<64x128xf32, #tpu.memory_space<vmem>>, vector<16xf32>,
        %add3A_164 = arith.addf %add3A_160, %get3A_163 : vector<16xf32>
        %max3A = arith.constant 0.000000e+00 : f32
        %max3A_165 = vector.broadcast %max3A : f32 to vector<16xf32>
        %max3A_166 = arith.maximumf %add3A_164, %max3A_165 : vector<16xf32>
        %swap3A = arith.index_cast %select_n3A : i32 to index
        %swap3A_167 = arith.index_cast %mul3A_142 : i32 to index
        %swap3A_168 = tpu.vector_load %arg33[%swap3A, %swap3A_167] {strides = array<i32>} : memref<64x128xf32, #tpu.memory_space<vmem>>, vector<16xf32>,
        tpu.vector_store %arg33[%swap3A, %swap3A_167], %max3A_166 {strides = array<i32>} : memref<64x128xf32, #tpu.memory_space<vmem>>, vector<16xf32>,
      }
      %while3A_105 = arith.constant 1 : i32
      scf.for %while3A_109 = %while3A_103 to %while3A_99 step %while3A_105  : i32 {
        %jit3A = arith.constant 8 : i64
        %convert_element_type3A = arith.trunci %jit3A : i64 to i32
        %div3A = arith.divsi %while3A_109, %convert_element_type3A : i32
        %sign3A = arith.constant 0 : i32
        %sign3A_110 = arith.cmpi sgt, %while3A_109, %sign3A : i32
        %sign3A_111 = arith.extui %sign3A_110 : i1 to i32
        %sign3A_112 = arith.constant 0 : i32
        %sign3A_113 = arith.cmpi slt, %while3A_109, %sign3A_112 : i32
        %sign3A_114 = arith.extui %sign3A_113 : i1 to i32
        %sign3A_115 = arith.subi %sign3A_111, %sign3A_114 : i32
        %sign3A_116 = arith.constant 0 : i32
        %sign3A_117 = arith.cmpi sgt, %convert_element_type3A, %sign3A_116 : i32
        %sign3A_118 = arith.extui %sign3A_117 : i1 to i32
        %sign3A_119 = arith.constant 0 : i32
        %sign3A_120 = arith.cmpi slt, %convert_element_type3A, %sign3A_119 : i32
        %sign3A_121 = arith.extui %sign3A_120 : i1 to i32
        %sign3A_122 = arith.subi %sign3A_118, %sign3A_121 : i32
        %ne3A = arith.cmpi ne, %sign3A_115, %sign3A_122 : i32
        %rem3A = arith.remsi %while3A_109, %convert_element_type3A : i32
        %ne3A_123 = arith.constant 0 : i32
        %ne3A_124 = arith.cmpi ne, %rem3A, %ne3A_123 : i32
        %and3A = arith.andi %ne3A, %ne3A_124 : i1
        %sub3A = arith.constant 1 : i32
        %sub3A_125 = arith.subi %div3A, %sub3A : i32
        %select_n3A = arith.select %and3A, %sub3A_125, %div3A : i32
        %jit3A_126 = arith.constant 8 : i64
        %convert_element_type3A_127 = arith.trunci %jit3A_126 : i64 to i32
        %eq3A = arith.constant 0 : i32
        %eq3A_128 = arith.cmpi eq, %convert_element_type3A_127, %eq3A : i32
        %jit3A_129 = arith.constant 1 : i32
        %select_n3A_130 = arith.select %eq3A_128, %jit3A_129, %convert_element_type3A_127 : i32
        %rem3A_131 = arith.remsi %while3A_109, %select_n3A_130 : i32
        %ne3A_132 = arith.constant 0 : i32
        %ne3A_133 = arith.cmpi ne, %rem3A_131, %ne3A_132 : i32
        %lt3A = arith.constant 0 : i32
        %lt3A_134 = arith.cmpi slt, %rem3A_131, %lt3A : i32
        %lt3A_135 = arith.constant 0 : i32
        %lt3A_136 = arith.cmpi slt, %select_n3A_130, %lt3A_135 : i32
        %ne3A_137 = arith.xori %lt3A_134, %lt3A_136 : i1
        %and3A_138 = arith.andi %ne3A_137, %ne3A_133 : i1
        %add3A_139 = arith.addi %rem3A_131, %select_n3A_130 : i32
        %select_n3A_140 = arith.select %and3A_138, %add3A_139, %rem3A_131 : i32
        %mul3A_141 = arith.constant 16 : i32
        %mul3A_142 = arith.muli %select_n3A_140, %mul3A_141 : i32
        %get3A = arith.index_cast %select_n3A : i32 to index
        %get3A_143 = arith.index_cast %mul3A_142 : i32 to index
        %get3A_144 = tpu.vector_load %arg27[%get3A, %get3A_143] {strides = array<i32>} : memref<64x128xf32, #tpu.memory_space<vmem>>, vector<16xf32>,
        %get3A_145 = arith.index_cast %select_n3A : i32 to index
        %get3A_146 = arith.index_cast %mul3A_142 : i32 to index
        %get3A_147 = tpu.vector_load %arg28[%get3A_145, %get3A_146] {strides = array<i32>} : memref<64x128xf32, #tpu.memory_space<vmem>>, vector<16xf32>,
        %add3A_148 = arith.addf %get3A_144, %get3A_147 : vector<16xf32>
        %get3A_149 = arith.index_cast %select_n3A : i32 to index
        %get3A_150 = arith.index_cast %mul3A_142 : i32 to index
        %get3A_151 = tpu.vector_load %arg29[%get3A_149, %get3A_150] {strides = array<i32>} : memref<64x128xf32, #tpu.memory_space<vmem>>, vector<16xf32>,
        %add3A_152 = arith.addf %add3A_148, %get3A_151 : vector<16xf32>
        %get3A_153 = arith.index_cast %select_n3A : i32 to index
        %get3A_154 = arith.index_cast %mul3A_142 : i32 to index
        %get3A_155 = tpu.vector_load %arg30[%get3A_153, %get3A_154] {strides = array<i32>} : memref<64x128xf32, #tpu.memory_space<vmem>>, vector<16xf32>,
        %add3A_156 = arith.addf %add3A_152, %get3A_155 : vector<16xf32>
        %get3A_157 = arith.index_cast %select_n3A : i32 to index
        %get3A_158 = arith.index_cast %mul3A_142 : i32 to index
        %get3A_159 = tpu.vector_load %arg31[%get3A_157, %get3A_158] {strides = array<i32>} : memref<64x128xf32, #tpu.memory_space<vmem>>, vector<16xf32>,
        %add3A_160 = arith.addf %add3A_156, %get3A_159 : vector<16xf32>
        %get3A_161 = arith.index_cast %select_n3A : i32 to index
        %get3A_162 = arith.index_cast %mul3A_142 : i32 to index
        %get3A_163 = tpu.vector_load %arg32[%get3A_161, %get3A_162] {strides = array<i32>} : memref<64x128xf32, #tpu.memory_space<vmem>>, vector<16xf32>,
        %add3A_164 = arith.addf %add3A_160, %get3A_163 : vector<16xf32>
        %max3A = arith.constant 0.000000e+00 : f32
        %max3A_165 = vector.broadcast %max3A : f32 to vector<16xf32>
        %max3A_166 = arith.maximumf %add3A_164, %max3A_165 : vector<16xf32>
        %swap3A = arith.index_cast %select_n3A : i32 to index
        %swap3A_167 = arith.index_cast %mul3A_142 : i32 to index
        %swap3A_168 = tpu.vector_load %arg33[%swap3A, %swap3A_167] {strides = array<i32>} : memref<64x128xf32, #tpu.memory_space<vmem>>, vector<16xf32>,
        tpu.vector_store %arg33[%swap3A, %swap3A_167], %max3A_166 {strides = array<i32>} : memref<64x128xf32, #tpu.memory_space<vmem>>, vector<16xf32>,
      }
      %mul3A_106 = arith.constant 64 : i32
      %mul3A_107 = arith.muli %while3A_24, %mul3A_106 : i32
      %add3A_108 = arith.addi %mul3A_2, %mul3A_107 : i32
      "tpu.region"() ({
        %run_scoped3A = tpu.sem_alloc : memref<!tpu.dma_semaphore, #tpu.memory_space<semaphore_mem>>
        %dma_start3A_109 = arith.constant 0 : i32
        %dma_start3A_110 = tpu.memref_slice %arg13[%add3A_108, %dma_start3A_109] : memref<65536x128xf32, #tpu.memory_space<hbm>> -> memref<64x128xf32, #tpu.memory_space<hbm>>
        %dma_start3A_111 = arith.constant 0 : i32
        %dma_start3A_112 = tpu.memref_slice %arg13[%add3A_108, %dma_start3A_111] : memref<65536x128xf32, #tpu.memory_space<hbm>> -> memref<64x128xf32, #tpu.memory_space<hbm>>
        tpu.enqueue_dma source(%arg33 : memref<64x128xf32, #tpu.memory_space<vmem>>) target(%dma_start3A_112 : memref<64x128xf32, #tpu.memory_space<hbm>>) target_semaphore(%run_scoped3A : memref<!tpu.dma_semaphore, #tpu.memory_space<semaphore_mem>>)
        %dma_wait3A_113 = arith.constant 0 : i32
        %dma_wait3A_114 = tpu.memref_slice %arg13[%add3A_108, %dma_wait3A_113] : memref<65536x128xf32, #tpu.memory_space<hbm>> -> memref<64x128xf32, #tpu.memory_space<hbm>>
        %dma_wait3A_115 = arith.constant 0 : i32
        %dma_wait3A_116 = tpu.memref_slice %arg13[%add3A_108, %dma_wait3A_115] : memref<65536x128xf32, #tpu.memory_space<hbm>> -> memref<64x128xf32, #tpu.memory_space<hbm>>
        tpu.wait_dma2 semaphore(%run_scoped3A : memref<!tpu.dma_semaphore, #tpu.memory_space<semaphore_mem>>) src(%arg33 : memref<64x128xf32, #tpu.memory_space<vmem>>) dst(%dma_wait3A_116 : memref<64x128xf32, #tpu.memory_space<hbm>>)
        tpu.yield
      }) : () -> ()
    }
    "tpu.region"() ({
      %run_scoped3A = tpu.sem_alloc : memref<!tpu.dma_semaphore, #tpu.memory_space<semaphore_mem>>
      %dma_start3A = tpu.memref_slice %arg14[%mul3A_2] : memref<65536xf32, #tpu.memory_space<hbm>> -> memref<2048xf32, #tpu.memory_space<hbm>>
      %dma_start3A_24 = tpu.memref_slice %arg14[%mul3A_2] : memref<65536xf32, #tpu.memory_space<hbm>> -> memref<2048xf32, #tpu.memory_space<hbm>>
      tpu.enqueue_dma source(%arg26 : memref<2048xf32, #tpu.memory_space<vmem>>) target(%dma_start3A_24 : memref<2048xf32, #tpu.memory_space<hbm>>) target_semaphore(%run_scoped3A : memref<!tpu.dma_semaphore, #tpu.memory_space<semaphore_mem>>)
      %dma_wait3A = tpu.memref_slice %arg14[%mul3A_2] : memref<65536xf32, #tpu.memory_space<hbm>> -> memref<2048xf32, #tpu.memory_space<hbm>>
      %dma_wait3A_25 = tpu.memref_slice %arg14[%mul3A_2] : memref<65536xf32, #tpu.memory_space<hbm>> -> memref<2048xf32, #tpu.memory_space<hbm>>
      tpu.wait_dma2 semaphore(%run_scoped3A : memref<!tpu.dma_semaphore, #tpu.memory_space<semaphore_mem>>) src(%arg26 : memref<2048xf32, #tpu.memory_space<vmem>>) dst(%dma_wait3A_25 : memref<2048xf32, #tpu.memory_space<hbm>>)
      tpu.yield
    }) : () -> ()
    return
  }
}

module attributes {stable_mosaic.version = 14 : i64} {
  func.func @body(%arg0: memref<256x64xf32, #tpu.memory_space<vmem>>, %arg1: memref<2x64xf32, #tpu.memory_space<vmem>>, %arg2: memref<256x64xf32, #tpu.memory_space<vmem>>, %arg3: memref<256x128xf32, #tpu.memory_space<vmem>>, %arg4: memref<1x128xf32, #tpu.memory_space<vmem>>, %arg5: memref<256x64xf32, #tpu.memory_space<vmem>>, %arg6: memref<81x128xf32, #tpu.memory_space<vmem>>, %arg7: memref<1x128xf32, #tpu.memory_space<vmem>>, %arg8: memref<256x64xf32, #tpu.memory_space<vmem>>, %arg9: memref<256x64xf32, #tpu.memory_space<vmem>>, %arg10: memref<320x128xf32, #tpu.memory_space<vmem>>, %arg11: memref<1x128xf32, #tpu.memory_space<vmem>>, %arg12: memref<256x64xf32, #tpu.memory_space<vmem>>, %arg13: memref<104x128xf32, #tpu.memory_space<vmem>>, %arg14: memref<1x128xf32, #tpu.memory_space<vmem>>, %arg15: memref<256x64xf32, #tpu.memory_space<vmem>>, %arg16: memref<256x64xf32, #tpu.memory_space<vmem>>, %arg17: memref<328x128xf32, #tpu.memory_space<vmem>>, %arg18: memref<1x128xf32, #tpu.memory_space<vmem>>, %arg19: memref<7680x128xf32, #tpu.memory_space<vmem>>) attributes {dimension_semantics = [], scalar_prefetch = 0 : i64, scratch_operands = 0 : i64, tpu.core_type = #tpu.core_type<tc>} {
    %iota3A = tpu.iota {dimensions = array<i32: 0>} : vector<256x1xi32>
    %shift_right_arithmetic3A = arith.constant 0 : i32
    %shift_right_arithmetic3A_0 = vector.broadcast %shift_right_arithmetic3A : i32 to vector<256x1xi32>
    %shift_right_arithmetic3A_1 = arith.shrsi %iota3A, %shift_right_arithmetic3A_0 : vector<256x1xi32>
    %and3A = arith.constant 1 : i32
    %and3A_2 = vector.broadcast %and3A : i32 to vector<256x1xi32>
    %and3A_3 = arith.andi %shift_right_arithmetic3A_1, %and3A_2 : vector<256x1xi32>
    %convert_element_type3A = arith.sitofp %and3A_3 : vector<256x1xi32> to vector<256x1xf32>
    %shift_right_arithmetic3A_4 = arith.constant 1 : i32
    %shift_right_arithmetic3A_5 = vector.broadcast %shift_right_arithmetic3A_4 : i32 to vector<256x1xi32>
    %shift_right_arithmetic3A_6 = arith.shrsi %iota3A, %shift_right_arithmetic3A_5 : vector<256x1xi32>
    %and3A_7 = arith.constant 1 : i32
    %and3A_8 = vector.broadcast %and3A_7 : i32 to vector<256x1xi32>
    %and3A_9 = arith.andi %shift_right_arithmetic3A_6, %and3A_8 : vector<256x1xi32>
    %convert_element_type3A_10 = arith.sitofp %and3A_9 : vector<256x1xi32> to vector<256x1xf32>
    %shift_right_arithmetic3A_11 = arith.constant 2 : i32
    %shift_right_arithmetic3A_12 = vector.broadcast %shift_right_arithmetic3A_11 : i32 to vector<256x1xi32>
    %shift_right_arithmetic3A_13 = arith.shrsi %iota3A, %shift_right_arithmetic3A_12 : vector<256x1xi32>
    %and3A_14 = arith.constant 1 : i32
    %and3A_15 = vector.broadcast %and3A_14 : i32 to vector<256x1xi32>
    %and3A_16 = arith.andi %shift_right_arithmetic3A_13, %and3A_15 : vector<256x1xi32>
    %convert_element_type3A_17 = arith.sitofp %and3A_16 : vector<256x1xi32> to vector<256x1xf32>
    %shift_right_arithmetic3A_18 = arith.constant 3 : i32
    %shift_right_arithmetic3A_19 = vector.broadcast %shift_right_arithmetic3A_18 : i32 to vector<256x1xi32>
    %shift_right_arithmetic3A_20 = arith.shrsi %iota3A, %shift_right_arithmetic3A_19 : vector<256x1xi32>
    %and3A_21 = arith.constant 1 : i32
    %and3A_22 = vector.broadcast %and3A_21 : i32 to vector<256x1xi32>
    %and3A_23 = arith.andi %shift_right_arithmetic3A_20, %and3A_22 : vector<256x1xi32>
    %convert_element_type3A_24 = arith.sitofp %and3A_23 : vector<256x1xi32> to vector<256x1xf32>
    %shift_right_arithmetic3A_25 = arith.constant 4 : i32
    %shift_right_arithmetic3A_26 = vector.broadcast %shift_right_arithmetic3A_25 : i32 to vector<256x1xi32>
    %shift_right_arithmetic3A_27 = arith.shrsi %iota3A, %shift_right_arithmetic3A_26 : vector<256x1xi32>
    %and3A_28 = arith.constant 1 : i32
    %and3A_29 = vector.broadcast %and3A_28 : i32 to vector<256x1xi32>
    %and3A_30 = arith.andi %shift_right_arithmetic3A_27, %and3A_29 : vector<256x1xi32>
    %convert_element_type3A_31 = arith.sitofp %and3A_30 : vector<256x1xi32> to vector<256x1xf32>
    %shift_right_arithmetic3A_32 = arith.constant 5 : i32
    %shift_right_arithmetic3A_33 = vector.broadcast %shift_right_arithmetic3A_32 : i32 to vector<256x1xi32>
    %shift_right_arithmetic3A_34 = arith.shrsi %iota3A, %shift_right_arithmetic3A_33 : vector<256x1xi32>
    %and3A_35 = arith.constant 1 : i32
    %and3A_36 = vector.broadcast %and3A_35 : i32 to vector<256x1xi32>
    %and3A_37 = arith.andi %shift_right_arithmetic3A_34, %and3A_36 : vector<256x1xi32>
    %convert_element_type3A_38 = arith.sitofp %and3A_37 : vector<256x1xi32> to vector<256x1xf32>
    %shift_right_arithmetic3A_39 = arith.constant 6 : i32
    %shift_right_arithmetic3A_40 = vector.broadcast %shift_right_arithmetic3A_39 : i32 to vector<256x1xi32>
    %shift_right_arithmetic3A_41 = arith.shrsi %iota3A, %shift_right_arithmetic3A_40 : vector<256x1xi32>
    %and3A_42 = arith.constant 1 : i32
    %and3A_43 = vector.broadcast %and3A_42 : i32 to vector<256x1xi32>
    %and3A_44 = arith.andi %shift_right_arithmetic3A_41, %and3A_43 : vector<256x1xi32>
    %convert_element_type3A_45 = arith.sitofp %and3A_44 : vector<256x1xi32> to vector<256x1xf32>
    %shift_right_arithmetic3A_46 = arith.constant 7 : i32
    %shift_right_arithmetic3A_47 = vector.broadcast %shift_right_arithmetic3A_46 : i32 to vector<256x1xi32>
    %shift_right_arithmetic3A_48 = arith.shrsi %iota3A, %shift_right_arithmetic3A_47 : vector<256x1xi32>
    %and3A_49 = arith.constant 1 : i32
    %and3A_50 = vector.broadcast %and3A_49 : i32 to vector<256x1xi32>
    %and3A_51 = arith.andi %shift_right_arithmetic3A_48, %and3A_50 : vector<256x1xi32>
    %convert_element_type3A_52 = arith.sitofp %and3A_51 : vector<256x1xi32> to vector<256x1xf32>
    %concatenate3A = tpu.concatenate %convert_element_type3A, %convert_element_type3A_10, %convert_element_type3A_17, %convert_element_type3A_24, %convert_element_type3A_31, %convert_element_type3A_38, %convert_element_type3A_45, %convert_element_type3A_52 in 1 : vector<256x1xf32>, vector<256x1xf32>, vector<256x1xf32>, vector<256x1xf32>, vector<256x1xf32>, vector<256x1xf32>, vector<256x1xf32>, vector<256x1xf32> -> vector<256x8xf32>
    %and3A_53 = arith.constant 1 : i32
    %and3A_54 = vector.broadcast %and3A_53 : i32 to vector<256x1xi32>
    %and3A_55 = arith.andi %iota3A, %and3A_54 : vector<256x1xi32>
    %convert_element_type3A_56 = arith.sitofp %and3A_55 : vector<256x1xi32> to vector<256x1xf32>
    %get3A = arith.constant 0 : index
    %get3A_57 = arith.constant 0 : index
    %get3A_58 = vector.load %arg0[%get3A, %get3A_57] : memref<256x64xf32, #tpu.memory_space<vmem>>, vector<256x64xf32>
    %get3A_59 = arith.constant 0 : index
    %get3A_60 = arith.constant 0 : index
    %get3A_61 = vector.load %arg1[%get3A_59, %get3A_60] : memref<2x64xf32, #tpu.memory_space<vmem>>, vector<2x64xf32>
    %get3A_62 = arith.constant 0 : index
    %get3A_63 = arith.constant 0 : index
    %get3A_64 = vector.load %arg2[%get3A_62, %get3A_63] : memref<256x64xf32, #tpu.memory_space<vmem>>, vector<256x64xf32>
    %get3A_65 = arith.constant 0 : index
    %get3A_66 = arith.constant 0 : index
    %get3A_67 = vector.load %arg3[%get3A_65, %get3A_66] : memref<256x128xf32, #tpu.memory_space<vmem>>, vector<256x128xf32>
    %get3A_68 = arith.constant 0 : index
    %get3A_69 = arith.constant 0 : index
    %get3A_70 = vector.load %arg5[%get3A_68, %get3A_69] : memref<256x64xf32, #tpu.memory_space<vmem>>, vector<256x64xf32>
    %get3A_71 = arith.constant 0 : index
    %get3A_72 = arith.constant 0 : index
    %get3A_73 = vector.load %arg6[%get3A_71, %get3A_72] : memref<81x128xf32, #tpu.memory_space<vmem>>, vector<81x128xf32>
    %get3A_74 = arith.constant 0 : index
    %get3A_75 = arith.constant 0 : index
    %get3A_76 = vector.load %arg8[%get3A_74, %get3A_75] : memref<256x64xf32, #tpu.memory_space<vmem>>, vector<256x64xf32>
    %get3A_77 = arith.constant 0 : index
    %get3A_78 = arith.constant 0 : index
    %get3A_79 = vector.load %arg9[%get3A_77, %get3A_78] : memref<256x64xf32, #tpu.memory_space<vmem>>, vector<256x64xf32>
    %get3A_80 = arith.constant 0 : index
    %get3A_81 = arith.constant 0 : index
    %get3A_82 = vector.load %arg10[%get3A_80, %get3A_81] : memref<320x128xf32, #tpu.memory_space<vmem>>, vector<320x128xf32>
    %get3A_83 = arith.constant 0 : index
    %get3A_84 = arith.constant 0 : index
    %get3A_85 = vector.load %arg12[%get3A_83, %get3A_84] : memref<256x64xf32, #tpu.memory_space<vmem>>, vector<256x64xf32>
    %get3A_86 = arith.constant 0 : index
    %get3A_87 = arith.constant 0 : index
    %get3A_88 = vector.load %arg13[%get3A_86, %get3A_87] : memref<104x128xf32, #tpu.memory_space<vmem>>, vector<104x128xf32>
    %get3A_89 = arith.constant 0 : index
    %get3A_90 = arith.constant 0 : index
    %get3A_91 = vector.load %arg15[%get3A_89, %get3A_90] : memref<256x64xf32, #tpu.memory_space<vmem>>, vector<256x64xf32>
    %get3A_92 = arith.constant 0 : index
    %get3A_93 = arith.constant 0 : index
    %get3A_94 = vector.load %arg16[%get3A_92, %get3A_93] : memref<256x64xf32, #tpu.memory_space<vmem>>, vector<256x64xf32>
    %get3A_95 = arith.constant 0 : index
    %get3A_96 = arith.constant 0 : index
    %get3A_97 = vector.load %arg17[%get3A_95, %get3A_96] : memref<328x128xf32, #tpu.memory_space<vmem>>, vector<328x128xf32>
    %get3A_98 = arith.constant 0 : index
    %get3A_99 = arith.constant 0 : index
    %get3A_100 = vector.load %arg4[%get3A_98, %get3A_99] : memref<1x128xf32, #tpu.memory_space<vmem>>, vector<1x128xf32>
    %get3A_101 = arith.constant 0 : index
    %get3A_102 = arith.constant 0 : index
    %get3A_103 = vector.load %arg7[%get3A_101, %get3A_102] : memref<1x128xf32, #tpu.memory_space<vmem>>, vector<1x128xf32>
    %get3A_104 = arith.constant 0 : index
    %get3A_105 = arith.constant 0 : index
    %get3A_106 = vector.load %arg11[%get3A_104, %get3A_105] : memref<1x128xf32, #tpu.memory_space<vmem>>, vector<1x128xf32>
    %get3A_107 = arith.constant 0 : index
    %get3A_108 = arith.constant 0 : index
    %get3A_109 = vector.load %arg14[%get3A_107, %get3A_108] : memref<1x128xf32, #tpu.memory_space<vmem>>, vector<1x128xf32>
    %get3A_110 = arith.constant 0 : index
    %get3A_111 = arith.constant 0 : index
    %get3A_112 = vector.load %arg18[%get3A_110, %get3A_111] : memref<1x128xf32, #tpu.memory_space<vmem>>, vector<1x128xf32>
    %and3A_113 = arith.constant 1 : i32
    %and3A_114 = vector.broadcast %and3A_113 : i32 to vector<256x1xi32>
    %and3A_115 = arith.andi %iota3A, %and3A_114 : vector<256x1xi32>
    %eq3A = arith.constant 1 : i32
    %eq3A_116 = vector.broadcast %eq3A : i32 to vector<256x1xi32>
    %eq3A_117 = arith.cmpi eq, %and3A_115, %eq3A_116 : vector<256x1xi32>
    %slice3A = vector.extract_strided_slice %get3A_61 {offsets = [1, 0], sizes = [1, 64], strides = [1, 1]} : vector<2x64xf32> to vector<1x64xf32>
    %slice3A_118 = vector.extract_strided_slice %get3A_61 {offsets = [0, 0], sizes = [1, 64], strides = [1, 1]} : vector<2x64xf32> to vector<1x64xf32>
    %broadcast_in_dim3A = vector.shape_cast %eq3A_117 : vector<256x1xi1> to vector<256x1xi1>
    %broadcast_in_dim3A_119 = vector.broadcast %broadcast_in_dim3A : vector<256x1xi1> to vector<256x64xi1>
    %broadcast_in_dim3A_120 = vector.shape_cast %slice3A : vector<1x64xf32> to vector<1x64xf32>
    %broadcast_in_dim3A_121 = vector.broadcast %broadcast_in_dim3A_120 : vector<1x64xf32> to vector<256x64xf32>
    %broadcast_in_dim3A_122 = vector.shape_cast %slice3A_118 : vector<1x64xf32> to vector<1x64xf32>
    %broadcast_in_dim3A_123 = vector.broadcast %broadcast_in_dim3A_122 : vector<1x64xf32> to vector<256x64xf32>
    %select_n3A = arith.select %broadcast_in_dim3A_119, %broadcast_in_dim3A_121, %broadcast_in_dim3A_123 : vector<256x64xi1>, vector<256x64xf32>
    %broadcast_in_dim3A_124 = arith.constant 0.000000e+00 : f32
    %broadcast_in_dim3A_125 = vector.broadcast %broadcast_in_dim3A_124 : f32 to vector<256x128xf32>
    %slice3A_126 = vector.extract_strided_slice %get3A_67 {offsets = [0, 0], sizes = [64, 128], strides = [1, 1]} : vector<256x128xf32> to vector<64x128xf32>
    %dot_general3A = arith.constant dense<0.000000e+00> : vector<256x128xf32>
    %dot_general3A_127 = tpu.matmul %get3A_58, %slice3A_126, %dot_general3A {dimension_numbers = #tpu.dot_dimension_numbers<[1], [0], [0], [1], [0, 0, 1, 1], [], []>, transpose_lhs_hint = false} : vector<256x64xf32>, vector<64x128xf32>, vector<256x128xf32> -> vector<256x128xf32>
    %slice3A_128 = vector.extract_strided_slice %get3A_73 {offsets = [0, 0], sizes = [8, 128], strides = [1, 1]} : vector<81x128xf32> to vector<8x128xf32>
    %dot_general3A_129 = arith.constant dense<0.000000e+00> : vector<256x128xf32>
    %dot_general3A_130 = tpu.matmul %concatenate3A, %slice3A_128, %dot_general3A_129 {dimension_numbers = #tpu.dot_dimension_numbers<[1], [0], [0], [1], [0, 0, 1, 1], [], []>, transpose_lhs_hint = false} : vector<256x8xf32>, vector<8x128xf32>, vector<256x128xf32> -> vector<256x128xf32>
    %slice3A_131 = vector.extract_strided_slice %get3A_82 {offsets = [0, 0], sizes = [64, 128], strides = [1, 1]} : vector<320x128xf32> to vector<64x128xf32>
    %dot_general3A_132 = arith.constant dense<0.000000e+00> : vector<256x128xf32>
    %dot_general3A_133 = tpu.matmul %get3A_76, %slice3A_131, %dot_general3A_132 {dimension_numbers = #tpu.dot_dimension_numbers<[1], [0], [0], [1], [0, 0, 1, 1], [], []>, transpose_lhs_hint = false} : vector<256x64xf32>, vector<64x128xf32>, vector<256x128xf32> -> vector<256x128xf32>
    %slice3A_134 = vector.extract_strided_slice %get3A_88 {offsets = [0, 0], sizes = [8, 128], strides = [1, 1]} : vector<104x128xf32> to vector<8x128xf32>
    %dot_general3A_135 = arith.constant dense<0.000000e+00> : vector<256x128xf32>
    %dot_general3A_136 = tpu.matmul %concatenate3A, %slice3A_134, %dot_general3A_135 {dimension_numbers = #tpu.dot_dimension_numbers<[1], [0], [0], [1], [0, 0, 1, 1], [], []>, transpose_lhs_hint = false} : vector<256x8xf32>, vector<8x128xf32>, vector<256x128xf32> -> vector<256x128xf32>
    %slice3A_137 = vector.extract_strided_slice %get3A_97 {offsets = [0, 0], sizes = [64, 128], strides = [1, 1]} : vector<328x128xf32> to vector<64x128xf32>
    %dot_general3A_138 = arith.constant dense<0.000000e+00> : vector<256x128xf32>
    %dot_general3A_139 = tpu.matmul %get3A_91, %slice3A_137, %dot_general3A_138 {dimension_numbers = #tpu.dot_dimension_numbers<[1], [0], [0], [1], [0, 0, 1, 1], [], []>, transpose_lhs_hint = false} : vector<256x64xf32>, vector<64x128xf32>, vector<256x128xf32> -> vector<256x128xf32>
    %slice3A_140 = vector.extract_strided_slice %get3A_67 {offsets = [64, 0], sizes = [64, 128], strides = [1, 1]} : vector<256x128xf32> to vector<64x128xf32>
    %dot_general3A_141 = arith.constant dense<0.000000e+00> : vector<256x128xf32>
    %dot_general3A_142 = tpu.matmul %get3A_58, %slice3A_140, %dot_general3A_141 {dimension_numbers = #tpu.dot_dimension_numbers<[1], [0], [0], [1], [0, 0, 1, 1], [], []>, transpose_lhs_hint = false} : vector<256x64xf32>, vector<64x128xf32>, vector<256x128xf32> -> vector<256x128xf32>
    %slice3A_143 = vector.extract_strided_slice %get3A_73 {offsets = [8, 0], sizes = [8, 128], strides = [1, 1]} : vector<81x128xf32> to vector<8x128xf32>
    %dot_general3A_144 = arith.constant dense<0.000000e+00> : vector<256x128xf32>
    %dot_general3A_145 = tpu.matmul %concatenate3A, %slice3A_143, %dot_general3A_144 {dimension_numbers = #tpu.dot_dimension_numbers<[1], [0], [0], [1], [0, 0, 1, 1], [], []>, transpose_lhs_hint = false} : vector<256x8xf32>, vector<8x128xf32>, vector<256x128xf32> -> vector<256x128xf32>
    %slice3A_146 = vector.extract_strided_slice %get3A_82 {offsets = [64, 0], sizes = [64, 128], strides = [1, 1]} : vector<320x128xf32> to vector<64x128xf32>
    %dot_general3A_147 = arith.constant dense<0.000000e+00> : vector<256x128xf32>
    %dot_general3A_148 = tpu.matmul %get3A_76, %slice3A_146, %dot_general3A_147 {dimension_numbers = #tpu.dot_dimension_numbers<[1], [0], [0], [1], [0, 0, 1, 1], [], []>, transpose_lhs_hint = false} : vector<256x64xf32>, vector<64x128xf32>, vector<256x128xf32> -> vector<256x128xf32>
    %slice3A_149 = vector.extract_strided_slice %get3A_88 {offsets = [8, 0], sizes = [8, 128], strides = [1, 1]} : vector<104x128xf32> to vector<8x128xf32>
    %dot_general3A_150 = arith.constant dense<0.000000e+00> : vector<256x128xf32>
    %dot_general3A_151 = tpu.matmul %concatenate3A, %slice3A_149, %dot_general3A_150 {dimension_numbers = #tpu.dot_dimension_numbers<[1], [0], [0], [1], [0, 0, 1, 1], [], []>, transpose_lhs_hint = false} : vector<256x8xf32>, vector<8x128xf32>, vector<256x128xf32> -> vector<256x128xf32>
    %slice3A_152 = vector.extract_strided_slice %get3A_97 {offsets = [64, 0], sizes = [64, 128], strides = [1, 1]} : vector<328x128xf32> to vector<64x128xf32>
    %dot_general3A_153 = arith.constant dense<0.000000e+00> : vector<256x128xf32>
    %dot_general3A_154 = tpu.matmul %get3A_91, %slice3A_152, %dot_general3A_153 {dimension_numbers = #tpu.dot_dimension_numbers<[1], [0], [0], [1], [0, 0, 1, 1], [], []>, transpose_lhs_hint = false} : vector<256x64xf32>, vector<64x128xf32>, vector<256x128xf32> -> vector<256x128xf32>
    %slice3A_155 = vector.extract_strided_slice %get3A_67 {offsets = [128, 0], sizes = [64, 128], strides = [1, 1]} : vector<256x128xf32> to vector<64x128xf32>
    %dot_general3A_156 = arith.constant dense<0.000000e+00> : vector<256x128xf32>
    %dot_general3A_157 = tpu.matmul %select_n3A, %slice3A_155, %dot_general3A_156 {dimension_numbers = #tpu.dot_dimension_numbers<[1], [0], [0], [1], [0, 0, 1, 1], [], []>, transpose_lhs_hint = false} : vector<256x64xf32>, vector<64x128xf32>, vector<256x128xf32> -> vector<256x128xf32>
    %slice3A_158 = vector.extract_strided_slice %get3A_73 {offsets = [16, 0], sizes = [1, 128], strides = [1, 1]} : vector<81x128xf32> to vector<1x128xf32>
    %mul3A = vector.broadcast %convert_element_type3A_56 : vector<256x1xf32> to vector<256x128xf32>
    %mul3A_159 = vector.broadcast %slice3A_158 : vector<1x128xf32> to vector<256x128xf32>
    %mul3A_160 = arith.mulf %mul3A, %mul3A_159 : vector<256x128xf32>
    %slice3A_161 = vector.extract_strided_slice %get3A_82 {offsets = [128, 0], sizes = [64, 128], strides = [1, 1]} : vector<320x128xf32> to vector<64x128xf32>
    %dot_general3A_162 = arith.constant dense<0.000000e+00> : vector<256x128xf32>
    %dot_general3A_163 = tpu.matmul %get3A_76, %slice3A_161, %dot_general3A_162 {dimension_numbers = #tpu.dot_dimension_numbers<[1], [0], [0], [1], [0, 0, 1, 1], [], []>, transpose_lhs_hint = false} : vector<256x64xf32>, vector<64x128xf32>, vector<256x128xf32> -> vector<256x128xf32>
    %slice3A_164 = vector.extract_strided_slice %get3A_88 {offsets = [16, 0], sizes = [8, 128], strides = [1, 1]} : vector<104x128xf32> to vector<8x128xf32>
    %dot_general3A_165 = arith.constant dense<0.000000e+00> : vector<256x128xf32>
    %dot_general3A_166 = tpu.matmul %concatenate3A, %slice3A_164, %dot_general3A_165 {dimension_numbers = #tpu.dot_dimension_numbers<[1], [0], [0], [1], [0, 0, 1, 1], [], []>, transpose_lhs_hint = false} : vector<256x8xf32>, vector<8x128xf32>, vector<256x128xf32> -> vector<256x128xf32>
    %slice3A_167 = vector.extract_strided_slice %get3A_97 {offsets = [128, 0], sizes = [64, 128], strides = [1, 1]} : vector<328x128xf32> to vector<64x128xf32>
    %dot_general3A_168 = arith.constant dense<0.000000e+00> : vector<256x128xf32>
    %dot_general3A_169 = tpu.matmul %get3A_91, %slice3A_167, %dot_general3A_168 {dimension_numbers = #tpu.dot_dimension_numbers<[1], [0], [0], [1], [0, 0, 1, 1], [], []>, transpose_lhs_hint = false} : vector<256x64xf32>, vector<64x128xf32>, vector<256x128xf32> -> vector<256x128xf32>
    %slice3A_170 = vector.extract_strided_slice %get3A_67 {offsets = [192, 0], sizes = [64, 128], strides = [1, 1]} : vector<256x128xf32> to vector<64x128xf32>
    %dot_general3A_171 = arith.constant dense<0.000000e+00> : vector<256x128xf32>
    %dot_general3A_172 = tpu.matmul %get3A_64, %slice3A_170, %dot_general3A_171 {dimension_numbers = #tpu.dot_dimension_numbers<[1], [0], [0], [1], [0, 0, 1, 1], [], []>, transpose_lhs_hint = false} : vector<256x64xf32>, vector<64x128xf32>, vector<256x128xf32> -> vector<256x128xf32>
    %add3A = vector.broadcast %get3A_100 : vector<1x128xf32> to vector<256x128xf32>
    %add3A_173 = arith.addf %dot_general3A_172, %add3A : vector<256x128xf32>
    %slice3A_174 = vector.extract_strided_slice %get3A_73 {offsets = [17, 0], sizes = [64, 128], strides = [1, 1]} : vector<81x128xf32> to vector<64x128xf32>
    %dot_general3A_175 = arith.constant dense<0.000000e+00> : vector<256x128xf32>
    %dot_general3A_176 = tpu.matmul %get3A_70, %slice3A_174, %dot_general3A_175 {dimension_numbers = #tpu.dot_dimension_numbers<[1], [0], [0], [1], [0, 0, 1, 1], [], []>, transpose_lhs_hint = false} : vector<256x64xf32>, vector<64x128xf32>, vector<256x128xf32> -> vector<256x128xf32>
    %add3A_177 = vector.broadcast %get3A_103 : vector<1x128xf32> to vector<256x128xf32>
    %add3A_178 = arith.addf %dot_general3A_176, %add3A_177 : vector<256x128xf32>
    %slice3A_179 = vector.extract_strided_slice %get3A_82 {offsets = [192, 0], sizes = [64, 128], strides = [1, 1]} : vector<320x128xf32> to vector<64x128xf32>
    %dot_general3A_180 = arith.constant dense<0.000000e+00> : vector<256x128xf32>
    %dot_general3A_181 = tpu.matmul %get3A_76, %slice3A_179, %dot_general3A_180 {dimension_numbers = #tpu.dot_dimension_numbers<[1], [0], [0], [1], [0, 0, 1, 1], [], []>, transpose_lhs_hint = false} : vector<256x64xf32>, vector<64x128xf32>, vector<256x128xf32> -> vector<256x128xf32>
    %slice3A_182 = vector.extract_strided_slice %get3A_88 {offsets = [24, 0], sizes = [8, 128], strides = [1, 1]} : vector<104x128xf32> to vector<8x128xf32>
    %dot_general3A_183 = arith.constant dense<0.000000e+00> : vector<256x128xf32>
    %dot_general3A_184 = tpu.matmul %concatenate3A, %slice3A_182, %dot_general3A_183 {dimension_numbers = #tpu.dot_dimension_numbers<[1], [0], [0], [1], [0, 0, 1, 1], [], []>, transpose_lhs_hint = false} : vector<256x8xf32>, vector<8x128xf32>, vector<256x128xf32> -> vector<256x128xf32>
    %slice3A_185 = vector.extract_strided_slice %get3A_97 {offsets = [192, 0], sizes = [8, 128], strides = [1, 1]} : vector<328x128xf32> to vector<8x128xf32>
    %dot_general3A_186 = arith.constant dense<0.000000e+00> : vector<256x128xf32>
    %dot_general3A_187 = tpu.matmul %concatenate3A, %slice3A_185, %dot_general3A_186 {dimension_numbers = #tpu.dot_dimension_numbers<[1], [0], [0], [1], [0, 0, 1, 1], [], []>, transpose_lhs_hint = false} : vector<256x8xf32>, vector<8x128xf32>, vector<256x128xf32> -> vector<256x128xf32>
    %slice3A_188 = vector.extract_strided_slice %get3A_82 {offsets = [256, 0], sizes = [64, 128], strides = [1, 1]} : vector<320x128xf32> to vector<64x128xf32>
    %dot_general3A_189 = arith.constant dense<0.000000e+00> : vector<256x128xf32>
    %dot_general3A_190 = tpu.matmul %get3A_79, %slice3A_188, %dot_general3A_189 {dimension_numbers = #tpu.dot_dimension_numbers<[1], [0], [0], [1], [0, 0, 1, 1], [], []>, transpose_lhs_hint = false} : vector<256x64xf32>, vector<64x128xf32>, vector<256x128xf32> -> vector<256x128xf32>
    %add3A_191 = vector.broadcast %get3A_106 : vector<1x128xf32> to vector<256x128xf32>
    %add3A_192 = arith.addf %dot_general3A_190, %add3A_191 : vector<256x128xf32>
    %slice3A_193 = vector.extract_strided_slice %get3A_88 {offsets = [32, 0], sizes = [8, 128], strides = [1, 1]} : vector<104x128xf32> to vector<8x128xf32>
    %dot_general3A_194 = arith.constant dense<0.000000e+00> : vector<256x128xf32>
    %dot_general3A_195 = tpu.matmul %concatenate3A, %slice3A_193, %dot_general3A_194 {dimension_numbers = #tpu.dot_dimension_numbers<[1], [0], [0], [1], [0, 0, 1, 1], [], []>, transpose_lhs_hint = false} : vector<256x8xf32>, vector<8x128xf32>, vector<256x128xf32> -> vector<256x128xf32>
    %slice3A_196 = vector.extract_strided_slice %get3A_97 {offsets = [200, 0], sizes = [64, 128], strides = [1, 1]} : vector<328x128xf32> to vector<64x128xf32>
    %dot_general3A_197 = arith.constant dense<0.000000e+00> : vector<256x128xf32>
    %dot_general3A_198 = tpu.matmul %get3A_91, %slice3A_196, %dot_general3A_197 {dimension_numbers = #tpu.dot_dimension_numbers<[1], [0], [0], [1], [0, 0, 1, 1], [], []>, transpose_lhs_hint = false} : vector<256x64xf32>, vector<64x128xf32>, vector<256x128xf32> -> vector<256x128xf32>
    %slice3A_199 = vector.extract_strided_slice %get3A_88 {offsets = [40, 0], sizes = [64, 128], strides = [1, 1]} : vector<104x128xf32> to vector<64x128xf32>
    %dot_general3A_200 = arith.constant dense<0.000000e+00> : vector<256x128xf32>
    %dot_general3A_201 = tpu.matmul %get3A_85, %slice3A_199, %dot_general3A_200 {dimension_numbers = #tpu.dot_dimension_numbers<[1], [0], [0], [1], [0, 0, 1, 1], [], []>, transpose_lhs_hint = false} : vector<256x64xf32>, vector<64x128xf32>, vector<256x128xf32> -> vector<256x128xf32>
    %add3A_202 = vector.broadcast %get3A_109 : vector<1x128xf32> to vector<256x128xf32>
    %add3A_203 = arith.addf %dot_general3A_201, %add3A_202 : vector<256x128xf32>
    %slice3A_204 = vector.extract_strided_slice %get3A_97 {offsets = [264, 0], sizes = [64, 128], strides = [1, 1]} : vector<328x128xf32> to vector<64x128xf32>
    %dot_general3A_205 = arith.constant dense<0.000000e+00> : vector<256x128xf32>
    %dot_general3A_206 = tpu.matmul %get3A_94, %slice3A_204, %dot_general3A_205 {dimension_numbers = #tpu.dot_dimension_numbers<[1], [0], [0], [1], [0, 0, 1, 1], [], []>, transpose_lhs_hint = false} : vector<256x64xf32>, vector<64x128xf32>, vector<256x128xf32> -> vector<256x128xf32>
    %add3A_207 = vector.broadcast %get3A_112 : vector<1x128xf32> to vector<256x128xf32>
    %add3A_208 = arith.addf %dot_general3A_206, %add3A_207 : vector<256x128xf32>
    %concatenate3A_209 = tpu.concatenate %dot_general3A_127, %dot_general3A_130, %dot_general3A_133, %dot_general3A_136, %dot_general3A_139, %dot_general3A_142, %dot_general3A_145, %dot_general3A_148, %dot_general3A_151, %dot_general3A_154, %dot_general3A_157, %mul3A_160, %dot_general3A_163, %dot_general3A_166, %dot_general3A_169, %add3A_173, %add3A_178, %dot_general3A_181, %dot_general3A_184, %dot_general3A_187, %broadcast_in_dim3A_125, %broadcast_in_dim3A_125, %add3A_192, %dot_general3A_195, %dot_general3A_198, %broadcast_in_dim3A_125, %broadcast_in_dim3A_125, %broadcast_in_dim3A_125, %add3A_203, %add3A_208 in 0 : vector<256x128xf32>, vector<256x128xf32>, vector<256x128xf32>, vector<256x128xf32>, vector<256x128xf32>, vector<256x128xf32>, vector<256x128xf32>, vector<256x128xf32>, vector<256x128xf32>, vector<256x128xf32>, vector<256x128xf32>, vector<256x128xf32>, vector<256x128xf32>, vector<256x128xf32>, vector<256x128xf32>, vector<256x128xf32>, vector<256x128xf32>, vector<256x128xf32>, vector<256x128xf32>, vector<256x128xf32>, vector<256x128xf32>, vector<256x128xf32>, vector<256x128xf32>, vector<256x128xf32>, vector<256x128xf32>, vector<256x128xf32>, vector<256x128xf32>, vector<256x128xf32>, vector<256x128xf32>, vector<256x128xf32> -> vector<7680x128xf32>
    %swap3A = arith.constant 0 : index
    %swap3A_210 = arith.constant 0 : index
    %swap3A_211 = vector.load %arg19[%swap3A, %swap3A_210] : memref<7680x128xf32, #tpu.memory_space<vmem>>, vector<7680x128xf32>
    tpu.vector_store %arg19[%swap3A, %swap3A_210], %concatenate3A_209 {strides = array<i32>} : memref<7680x128xf32, #tpu.memory_space<vmem>>, vector<7680x128xf32>,
    return
  }
}

module attributes {stable_mosaic.version = 14 : i64} {
  func.func @body(%arg0: i32, %arg1: memref<2048x128xf32, #tpu.memory_space<vmem>>, %arg2: memref<2048x1xf32, #tpu.memory_space<vmem>>, %arg3: memref<5x128x264xf32, #tpu.memory_space<vmem>>, %arg4: memref<5x264xf32, #tpu.memory_space<vmem>>, %arg5: memref<2048x264xf32, #tpu.memory_space<vmem>>) attributes {dimension_semantics = [#tpu.dimension_semantics<arbitrary>], iteration_bounds = array<i64: 32>, scalar_prefetch = 0 : i64, scratch_operands = 0 : i64, tpu.core_type = #tpu.core_type<tc>, window_params = [{transform_indices = @transform_0, window_bounds = array<i64: 2048, 128>}, {transform_indices = @transform_1, window_bounds = array<i64: 2048, 1>}, {pipeline_mode = #tpu.pipeline_mode<synchronous>, transform_indices = @transform_2, window_bounds = array<i64: 5, 128, 264>}, {pipeline_mode = #tpu.pipeline_mode<synchronous>, transform_indices = @transform_3, window_bounds = array<i64: 5, 264>}, {transform_indices = @transform_4, window_bounds = array<i64: 2048, 264>}]} {
    %get3A = arith.constant 0 : index
    %get3A_0 = arith.constant 0 : index
    %get3A_1 = vector.load %arg1[%get3A, %get3A_0] : memref<2048x128xf32, #tpu.memory_space<vmem>>, vector<2048x128xf32>
    %get3A_2 = arith.constant 0 : index
    %get3A_3 = arith.constant 0 : index
    %get3A_4 = vector.load %arg2[%get3A_2, %get3A_3] : memref<2048x1xf32, #tpu.memory_space<vmem>>, vector<2048x1xf32>
    %broadcast_in_dim3A = arith.constant 0.000000e+00 : f32
    %broadcast_in_dim3A_5 = vector.broadcast %broadcast_in_dim3A : f32 to vector<2048x264xf32>
    %eq3A = arith.constant 0.000000e+00 : f32
    %eq3A_6 = vector.broadcast %eq3A : f32 to vector<2048x1xf32>
    %eq3A_7 = arith.cmpf oeq, %get3A_4, %eq3A_6 : vector<2048x1xf32>
    %convert_element_type3A = arith.extui %eq3A_7 : vector<2048x1xi1> to vector<2048x1xi32>
    %convert_element_type3A_8 = arith.sitofp %convert_element_type3A : vector<2048x1xi32> to vector<2048x1xf32>
    %mul3A = vector.broadcast %convert_element_type3A_8 : vector<2048x1xf32> to vector<2048x128xf32>
    %mul3A_9 = arith.mulf %get3A_1, %mul3A : vector<2048x128xf32>
    %get3A_10 = arith.constant 0 : index
    %get3A_11 = arith.constant 0 : index
    %get3A_12 = arith.constant 0 : index
    %get3A_13 = vector.load %arg3[%get3A_10, %get3A_11, %get3A_12] : memref<5x128x264xf32, #tpu.memory_space<vmem>>, vector<1x128x264xf32>
    %get3A_14 = vector.shape_cast %get3A_13 : vector<1x128x264xf32> to vector<128x264xf32>
    %dot_general3A = arith.constant dense<0.000000e+00> : vector<2048x264xf32>
    %dot_general3A_15 = tpu.matmul %mul3A_9, %get3A_14, %dot_general3A {dimension_numbers = #tpu.dot_dimension_numbers<[1], [0], [0], [1], [0, 0, 1, 1], [], []>, transpose_lhs_hint = false} : vector<2048x128xf32>, vector<128x264xf32>, vector<2048x264xf32> -> vector<2048x264xf32>
    %add3A = arith.addf %broadcast_in_dim3A_5, %dot_general3A_15 : vector<2048x264xf32>
    %get3A_16 = arith.constant 0 : index
    %get3A_17 = arith.constant 0 : index
    %get3A_18 = vector.load %arg4[%get3A_16, %get3A_17] : memref<5x264xf32, #tpu.memory_space<vmem>>, vector<1x264xf32>
    %get3A_19 = vector.shape_cast %get3A_18 : vector<1x264xf32> to vector<264xf32>
    %broadcast_in_dim3A_20 = vector.shape_cast %get3A_19 : vector<264xf32> to vector<1x264xf32>
    %mul3A_21 = vector.broadcast %convert_element_type3A_8 : vector<2048x1xf32> to vector<2048x264xf32>
    %mul3A_22 = vector.broadcast %broadcast_in_dim3A_20 : vector<1x264xf32> to vector<2048x264xf32>
    %mul3A_23 = arith.mulf %mul3A_21, %mul3A_22 : vector<2048x264xf32>
    %add3A_24 = arith.addf %add3A, %mul3A_23 : vector<2048x264xf32>
    %eq3A_25 = arith.constant 1.000000e+00 : f32
    %eq3A_26 = vector.broadcast %eq3A_25 : f32 to vector<2048x1xf32>
    %eq3A_27 = arith.cmpf oeq, %get3A_4, %eq3A_26 : vector<2048x1xf32>
    %convert_element_type3A_28 = arith.extui %eq3A_27 : vector<2048x1xi1> to vector<2048x1xi32>
    %convert_element_type3A_29 = arith.sitofp %convert_element_type3A_28 : vector<2048x1xi32> to vector<2048x1xf32>
    %mul3A_30 = vector.broadcast %convert_element_type3A_29 : vector<2048x1xf32> to vector<2048x128xf32>
    %mul3A_31 = arith.mulf %get3A_1, %mul3A_30 : vector<2048x128xf32>
    %get3A_32 = arith.constant 1 : index
    %get3A_33 = arith.constant 0 : index
    %get3A_34 = arith.constant 0 : index
    %get3A_35 = vector.load %arg3[%get3A_32, %get3A_33, %get3A_34] : memref<5x128x264xf32, #tpu.memory_space<vmem>>, vector<1x128x264xf32>
    %get3A_36 = vector.shape_cast %get3A_35 : vector<1x128x264xf32> to vector<128x264xf32>
    %dot_general3A_37 = arith.constant dense<0.000000e+00> : vector<2048x264xf32>
    %dot_general3A_38 = tpu.matmul %mul3A_31, %get3A_36, %dot_general3A_37 {dimension_numbers = #tpu.dot_dimension_numbers<[1], [0], [0], [1], [0, 0, 1, 1], [], []>, transpose_lhs_hint = false} : vector<2048x128xf32>, vector<128x264xf32>, vector<2048x264xf32> -> vector<2048x264xf32>
    %add3A_39 = arith.addf %add3A_24, %dot_general3A_38 : vector<2048x264xf32>
    %get3A_40 = arith.constant 1 : index
    %get3A_41 = arith.constant 0 : index
    %get3A_42 = vector.load %arg4[%get3A_40, %get3A_41] : memref<5x264xf32, #tpu.memory_space<vmem>>, vector<1x264xf32>
    %get3A_43 = vector.shape_cast %get3A_42 : vector<1x264xf32> to vector<264xf32>
    %broadcast_in_dim3A_44 = vector.shape_cast %get3A_43 : vector<264xf32> to vector<1x264xf32>
    %mul3A_45 = vector.broadcast %convert_element_type3A_29 : vector<2048x1xf32> to vector<2048x264xf32>
    %mul3A_46 = vector.broadcast %broadcast_in_dim3A_44 : vector<1x264xf32> to vector<2048x264xf32>
    %mul3A_47 = arith.mulf %mul3A_45, %mul3A_46 : vector<2048x264xf32>
    %add3A_48 = arith.addf %add3A_39, %mul3A_47 : vector<2048x264xf32>
    %eq3A_49 = arith.constant 2.000000e+00 : f32
    %eq3A_50 = vector.broadcast %eq3A_49 : f32 to vector<2048x1xf32>
    %eq3A_51 = arith.cmpf oeq, %get3A_4, %eq3A_50 : vector<2048x1xf32>
    %convert_element_type3A_52 = arith.extui %eq3A_51 : vector<2048x1xi1> to vector<2048x1xi32>
    %convert_element_type3A_53 = arith.sitofp %convert_element_type3A_52 : vector<2048x1xi32> to vector<2048x1xf32>
    %mul3A_54 = vector.broadcast %convert_element_type3A_53 : vector<2048x1xf32> to vector<2048x128xf32>
    %mul3A_55 = arith.mulf %get3A_1, %mul3A_54 : vector<2048x128xf32>
    %get3A_56 = arith.constant 2 : index
    %get3A_57 = arith.constant 0 : index
    %get3A_58 = arith.constant 0 : index
    %get3A_59 = vector.load %arg3[%get3A_56, %get3A_57, %get3A_58] : memref<5x128x264xf32, #tpu.memory_space<vmem>>, vector<1x128x264xf32>
    %get3A_60 = vector.shape_cast %get3A_59 : vector<1x128x264xf32> to vector<128x264xf32>
    %dot_general3A_61 = arith.constant dense<0.000000e+00> : vector<2048x264xf32>
    %dot_general3A_62 = tpu.matmul %mul3A_55, %get3A_60, %dot_general3A_61 {dimension_numbers = #tpu.dot_dimension_numbers<[1], [0], [0], [1], [0, 0, 1, 1], [], []>, transpose_lhs_hint = false} : vector<2048x128xf32>, vector<128x264xf32>, vector<2048x264xf32> -> vector<2048x264xf32>
    %add3A_63 = arith.addf %add3A_48, %dot_general3A_62 : vector<2048x264xf32>
    %get3A_64 = arith.constant 2 : index
    %get3A_65 = arith.constant 0 : index
    %get3A_66 = vector.load %arg4[%get3A_64, %get3A_65] : memref<5x264xf32, #tpu.memory_space<vmem>>, vector<1x264xf32>
    %get3A_67 = vector.shape_cast %get3A_66 : vector<1x264xf32> to vector<264xf32>
    %broadcast_in_dim3A_68 = vector.shape_cast %get3A_67 : vector<264xf32> to vector<1x264xf32>
    %mul3A_69 = vector.broadcast %convert_element_type3A_53 : vector<2048x1xf32> to vector<2048x264xf32>
    %mul3A_70 = vector.broadcast %broadcast_in_dim3A_68 : vector<1x264xf32> to vector<2048x264xf32>
    %mul3A_71 = arith.mulf %mul3A_69, %mul3A_70 : vector<2048x264xf32>
    %add3A_72 = arith.addf %add3A_63, %mul3A_71 : vector<2048x264xf32>
    %eq3A_73 = arith.constant 3.000000e+00 : f32
    %eq3A_74 = vector.broadcast %eq3A_73 : f32 to vector<2048x1xf32>
    %eq3A_75 = arith.cmpf oeq, %get3A_4, %eq3A_74 : vector<2048x1xf32>
    %convert_element_type3A_76 = arith.extui %eq3A_75 : vector<2048x1xi1> to vector<2048x1xi32>
    %convert_element_type3A_77 = arith.sitofp %convert_element_type3A_76 : vector<2048x1xi32> to vector<2048x1xf32>
    %mul3A_78 = vector.broadcast %convert_element_type3A_77 : vector<2048x1xf32> to vector<2048x128xf32>
    %mul3A_79 = arith.mulf %get3A_1, %mul3A_78 : vector<2048x128xf32>
    %get3A_80 = arith.constant 3 : index
    %get3A_81 = arith.constant 0 : index
    %get3A_82 = arith.constant 0 : index
    %get3A_83 = vector.load %arg3[%get3A_80, %get3A_81, %get3A_82] : memref<5x128x264xf32, #tpu.memory_space<vmem>>, vector<1x128x264xf32>
    %get3A_84 = vector.shape_cast %get3A_83 : vector<1x128x264xf32> to vector<128x264xf32>
    %dot_general3A_85 = arith.constant dense<0.000000e+00> : vector<2048x264xf32>
    %dot_general3A_86 = tpu.matmul %mul3A_79, %get3A_84, %dot_general3A_85 {dimension_numbers = #tpu.dot_dimension_numbers<[1], [0], [0], [1], [0, 0, 1, 1], [], []>, transpose_lhs_hint = false} : vector<2048x128xf32>, vector<128x264xf32>, vector<2048x264xf32> -> vector<2048x264xf32>
    %add3A_87 = arith.addf %add3A_72, %dot_general3A_86 : vector<2048x264xf32>
    %get3A_88 = arith.constant 3 : index
    %get3A_89 = arith.constant 0 : index
    %get3A_90 = vector.load %arg4[%get3A_88, %get3A_89] : memref<5x264xf32, #tpu.memory_space<vmem>>, vector<1x264xf32>
    %get3A_91 = vector.shape_cast %get3A_90 : vector<1x264xf32> to vector<264xf32>
    %broadcast_in_dim3A_92 = vector.shape_cast %get3A_91 : vector<264xf32> to vector<1x264xf32>
    %mul3A_93 = vector.broadcast %convert_element_type3A_77 : vector<2048x1xf32> to vector<2048x264xf32>
    %mul3A_94 = vector.broadcast %broadcast_in_dim3A_92 : vector<1x264xf32> to vector<2048x264xf32>
    %mul3A_95 = arith.mulf %mul3A_93, %mul3A_94 : vector<2048x264xf32>
    %add3A_96 = arith.addf %add3A_87, %mul3A_95 : vector<2048x264xf32>
    %eq3A_97 = arith.constant 4.000000e+00 : f32
    %eq3A_98 = vector.broadcast %eq3A_97 : f32 to vector<2048x1xf32>
    %eq3A_99 = arith.cmpf oeq, %get3A_4, %eq3A_98 : vector<2048x1xf32>
    %convert_element_type3A_100 = arith.extui %eq3A_99 : vector<2048x1xi1> to vector<2048x1xi32>
    %convert_element_type3A_101 = arith.sitofp %convert_element_type3A_100 : vector<2048x1xi32> to vector<2048x1xf32>
    %mul3A_102 = vector.broadcast %convert_element_type3A_101 : vector<2048x1xf32> to vector<2048x128xf32>
    %mul3A_103 = arith.mulf %get3A_1, %mul3A_102 : vector<2048x128xf32>
    %get3A_104 = arith.constant 4 : index
    %get3A_105 = arith.constant 0 : index
    %get3A_106 = arith.constant 0 : index
    %get3A_107 = vector.load %arg3[%get3A_104, %get3A_105, %get3A_106] : memref<5x128x264xf32, #tpu.memory_space<vmem>>, vector<1x128x264xf32>
    %get3A_108 = vector.shape_cast %get3A_107 : vector<1x128x264xf32> to vector<128x264xf32>
    %dot_general3A_109 = arith.constant dense<0.000000e+00> : vector<2048x264xf32>
    %dot_general3A_110 = tpu.matmul %mul3A_103, %get3A_108, %dot_general3A_109 {dimension_numbers = #tpu.dot_dimension_numbers<[1], [0], [0], [1], [0, 0, 1, 1], [], []>, transpose_lhs_hint = false} : vector<2048x128xf32>, vector<128x264xf32>, vector<2048x264xf32> -> vector<2048x264xf32>
    %add3A_111 = arith.addf %add3A_96, %dot_general3A_110 : vector<2048x264xf32>
    %get3A_112 = arith.constant 4 : index
    %get3A_113 = arith.constant 0 : index
    %get3A_114 = vector.load %arg4[%get3A_112, %get3A_113] : memref<5x264xf32, #tpu.memory_space<vmem>>, vector<1x264xf32>
    %get3A_115 = vector.shape_cast %get3A_114 : vector<1x264xf32> to vector<264xf32>
    %broadcast_in_dim3A_116 = vector.shape_cast %get3A_115 : vector<264xf32> to vector<1x264xf32>
    %mul3A_117 = vector.broadcast %convert_element_type3A_101 : vector<2048x1xf32> to vector<2048x264xf32>
    %mul3A_118 = vector.broadcast %broadcast_in_dim3A_116 : vector<1x264xf32> to vector<2048x264xf32>
    %mul3A_119 = arith.mulf %mul3A_117, %mul3A_118 : vector<2048x264xf32>
    %add3A_120 = arith.addf %add3A_111, %mul3A_119 : vector<2048x264xf32>
    %swap3A = arith.constant 0 : index
    %swap3A_121 = arith.constant 0 : index
    %swap3A_122 = vector.load %arg5[%swap3A, %swap3A_121] : memref<2048x264xf32, #tpu.memory_space<vmem>>, vector<2048x264xf32>
    tpu.vector_store %arg5[%swap3A, %swap3A_121], %add3A_120 {strides = array<i32>} : memref<2048x264xf32, #tpu.memory_space<vmem>>, vector<2048x264xf32>,
    return
  }
  func.func @transform_0(%arg0: i32) -> (i32, i32) {
    %c0_i32 = arith.constant 0 : i32
    %c0_i32_0 = arith.constant 0 : i32
    return %arg0, %c0_i32 : i32, i32
  }
  func.func @transform_1(%arg0: i32) -> (i32, i32) {
    %c0_i32 = arith.constant 0 : i32
    %c0_i32_0 = arith.constant 0 : i32
    return %arg0, %c0_i32 : i32, i32
  }
  func.func @transform_2(%arg0: i32) -> (i32, i32, i32) {
    %c0_i32 = arith.constant 0 : i32
    %c0_i32_0 = arith.constant 0 : i32
    %c0_i32_1 = arith.constant 0 : i32
    %c0_i32_2 = arith.constant 0 : i32
    return %c0_i32, %c0_i32_0, %c0_i32_1 : i32, i32, i32
  }
  func.func @transform_3(%arg0: i32) -> (i32, i32) {
    %c0_i32 = arith.constant 0 : i32
    %c0_i32_0 = arith.constant 0 : i32
    %c0_i32_1 = arith.constant 0 : i32
    return %c0_i32, %c0_i32_0 : i32, i32
  }
  func.func @transform_4(%arg0: i32) -> (i32, i32) {
    %c0_i32 = arith.constant 0 : i32
    %c0_i32_0 = arith.constant 0 : i32
    return %arg0, %c0_i32 : i32, i32
  }
}

</mosaic_0001>

<sc_bundles>
// kernel: kernel.5.cloned.1.call-start
scs
__scs_entry_jumppad:
0x0: {  	(pc) =	sbr.rel $0x88, $3  }
0x1: {  	(tag) =	ssettag $0x0;
	lr =	simm.s32 $0x1  }
0x2: {  	[smem:$0x3F70] =	sst lr;
	_ =	strace $0xD0000000  }
0x3: {  	_ = 	snop  }
0x4: {  	_ = 	snop  }
0x5: {  	_ = 	snop  }
0x6: {  	_ = 	snop  }
0x7: {  	_ = 	snop  }
__scs_overlays_trampoline_lowered:
0x8: {  	[smem:$0x3F7F] =	sst s0  }
0x9: {  	[smem:$0x3F80] =	sst s1  }
0xa: {  	[smem:$0x3F81] =	sst s2  }
0xb: {  	[smem:$0x3F82] =	sst s3  }
0xc: {  	[smem:$0x3F83] =	sst s4  }
0xd: {  	[smem:$0x3F84] =	sst s5  }
0xe: {  	[smem:$0x3F85] =	sst s6  }
0xf: {  	[smem:$0x3F86] =	sst s7  }
0x10: {  	[smem:$0x3F87] =	sst s8  }
0x11: {  	[smem:$0x3F88] =	sst s9;
	s0 =	simm.s32 @!p0 $0x0  }
0x12: {  	s1 =	sld [smem:$0x3F6E];
	s0 =	simm.s32 @p0 $0x1  }
0x13: {  	[smem:$0x3F89] =	sst s0;
	s0 =	simm.s32 @!p1 $0x0  }
0x14: {  	s2 =	sld [smem:$0x3F6D];
	s0 =	simm.s32 @p1 $0x1  }
0x15: {  	[smem:$0x3F8A] =	sst s0;
	s0 =	simm.s32 @!p2 $0x0  }
0x16: {  	s3 =	sld [smem:$0x3FDB];
	s0 =	simm.s32 @p2 $0x1  }
0x17: {  	s4 =	simm.s32 $0x1BF5;
	[smem:$0x3F8C] =	sst s0  }
0x18: {  	s0 =	sld [smem:$0x3F6F];
	_ =	swait.ge [sflag:s4], $0x0  }
0x19: {  	s7 =	sld [smem:$0x3F70]  }
0x1a: {  	s8 =	sadd.s32 $0xFFFFE003, lr  }
0x1b: {  	s9 =	sadd.s32 $0xFFFFFEF7, lr;
	s5 =	simm.s32 $0xFFFFFFFF;
	p2 =	slt.u32 s8, $0xFFFFF086  }
0x1c: {  	p1 =	slt.u32 s9, $0xF7A;
	s5 =	simm.s32 @!p2 $0x0  }
0x1d: {  	s5 =	simm.s32 @p1 $0x1;
	p0 =	seq.s32 s7, s2  }
0x1e: {  	s7 =	smul.u32 @!p0 $0xF7A, s2;
	p2 =	seq.s32 @!p0 s5, $0x0  }
0x1f: {  	s9 =	smul.u32 $0xF7A, s1;
	s8 =	simm.s32 @!p0 $0x1BF5;
	p2 =	por !p2, p0  }
0x20: {  	[sflag:s8] =	ssyncset.s32 @!p0 $0xFFFFF086;
	s6 =	sadd.s32 @!p0 s3, s7;
	s7 =	simm.s32 @!p0 $0x108  }
0x21: {  	s3 =	sadd.s32 s3, s9;
	s6 =	sadd.s32 @!p0 $0x88, s6;
	s7 =	simm.s32 @p2 $0x1082  }
0x22: {  	[simem:s7], [sflag:s8] =	dma.local @!p0 [hbm:s6], $0xF7A  }
0x23: {  	s9 =	sor.u32 $0xD0000000, s2;
	s6 =	simm.s32 $0x108;
	_ =	swait.ge @!p0 [sflag:s8], $0x0  }
0x24: {  	s3 =	sadd.s32 $0x88, s3;
	s6 =	simm.s32 @!p1 $0x1082;
	[sflag:s4] =	ssyncset.s32 $0xFFFFF086  }
0x25: {  	[simem:s6], [sflag:s4] =	dma.local [hbm:s3], $0xF7A  }
0x26: {  	[smem:$0x3F70] =	sst s1;
	(tag) =	ssettag s2;
	_ =	strace s9  }
0x27: {  	s1 =	sld [smem:$0x3F80]  }
0x28: {  	s2 =	sld [smem:$0x3F81]  }
0x29: {  	s4 =	sld [smem:$0x3F83]  }
0x2a: {  	p0 =	seq.s32 s5, $0x0;
	s5 =	sld [smem:$0x3F84]  }
0x2b: {  	s6 =	sld [smem:$0x3F85]  }
0x2c: {  	s7 =	sld [smem:$0x3F86]  }
0x2d: {  	s3 =	simm.s32 $0x108;
	s8 =	sld [smem:$0x3F87]  }
0x2e: {  	s3 =	simm.s32 @!p0 $0x1082;
	s9 =	sld [smem:$0x3F88]  }
0x2f: {  	lr =	sadd.s32 s0, s3;
	s0 =	sld [smem:$0x3F7F]  }
0x30: {  	s3 =	sld [smem:$0x3F82]  }
0x31: {  	[smem:$0x3F8B] =	sst s10  }
0x32: {  	s10 =	sld [smem:$0x3F89];
	_ =	sdelay $0x3  }
0x33: {  	p0 =	seq.s32 s10, $0x1;
	s10 =	sld [smem:$0x3F8B];
	_ =	sdelay $0x3  }
0x34: {  	[smem:$0x3F8B] =	sst s10  }
0x35: {  	s10 =	sld [smem:$0x3F8A];
	_ =	sdelay $0x3  }
0x36: {  	p1 =	seq.s32 s10, $0x1;
	s10 =	sld [smem:$0x3F8B];
	_ =	sdelay $0x3  }
0x37: {  	[smem:$0x3F8B] =	sst s10  }
0x38: {  	s10 =	sld [smem:$0x3F8C]  }
0x39: {  	_ = 	snop;
	(pc) =	sbr.ind lr, $3  }
0x3a: {  	_ = 	snop  }
0x3b: {  	_ = 	snop  }
0x3c: {  	p2 =	seq.s32 s10, $0x1;
	s10 =	sld [smem:$0x3F8B]  }
0x3d: {  	_ =	shalt  }
0x3e: {  	_ =	shalt  }
0x3f: {  	_ =	shalt  }
0x40: {  	_ =	shalt  }
0x41: {  	_ =	shalt  }
0x42: {  	_ =	shalt  }
0x43: {  	_ =	shalt  }
0x44: {  	_ =	shalt  }
0x45: {  	_ =	shalt  }
0x46: {  	_ =	shalt  }
0x47: {  	_ =	shalt  }
0x48: {  	_ =	shalt  }
0x49: {  	_ =	shalt  }
0x4a: {  	_ =	shalt  }
0x4b: {  	_ =	shalt  }
0x4c: {  	_ =	shalt  }
0x4d: {  	_ =	shalt  }
0x4e: {  	_ =	shalt  }
0x4f: {  	_ =	shalt  }
0x50: {  	_ =	shalt  }
0x51: {  	_ =	shalt  }
0x52: {  	_ =	shalt  }
0x53: {  	_ =	shalt  }
0x54: {  	_ =	shalt  }
0x55: {  	_ =	shalt  }
0x56: {  	_ =	shalt  }
0x57: {  	_ =	shalt  }
0x58: {  	_ =	shalt  }
0x59: {  	_ =	shalt  }
0x5a: {  	_ =	shalt  }
0x5b: {  	_ =	shalt  }
0x5c: {  	_ =	shalt  }
0x5d: {  	_ =	shalt  }
0x5e: {  	_ =	shalt  }
0x5f: {  	_ =	shalt  }
0x60: {  	_ =	shalt  }
0x61: {  	_ =	shalt  }
0x62: {  	_ =	shalt  }
0x63: {  	_ =	shalt  }
0x64: {  	_ =	shalt  }
0x65: {  	_ =	shalt  }
0x66: {  	_ =	shalt  }
0x67: {  	_ =	shalt  }
0x68: {  	_ =	shalt  }
0x69: {  	_ =	shalt  }
0x6a: {  	_ =	shalt  }
0x6b: {  	_ =	shalt  }
0x6c: {  	_ =	shalt  }
0x6d: {  	_ =	shalt  }
0x6e: {  	_ =	shalt  }
0x6f: {  	_ =	shalt  }
0x70: {  	_ =	shalt  }
0x71: {  	_ =	shalt  }
0x72: {  	_ =	shalt  }
0x73: {  	_ =	shalt  }
0x74: {  	_ =	shalt  }
0x75: {  	_ =	shalt  }
0x76: {  	_ =	shalt  }
0x77: {  	_ =	shalt  }
0x78: {  	_ =	shalt  }
0x79: {  	_ =	shalt  }
0x7a: {  	_ =	shalt  }
0x7b: {  	_ =	shalt  }
0x7c: {  	_ =	shalt  }
0x7d: {  	_ =	shalt  }
0x7e: {  	_ =	shalt  }
0x7f: {  	_ =	shalt  }
0x80: {  	_ =	shalt  }
0x81: {  	_ =	shalt  }
0x82: {  	_ =	shalt  }
0x83: {  	_ =	shalt  }
0x84: {  	_ =	shalt  }
0x85: {  	_ =	shalt  }
0x86: {  	_ =	shalt  }
0x87: {  	_ =	shalt  }
.Lfunc_end0:
.L_simem_size_0:
called_computation_lowered:
.L_overlay_start_0:
0x88: {  	s2 =	sld [smem:$0x3FD9]  }
0x89: {  	s3 =	sld [smem:$0x3FFE];
	_ =	sdelay $0x1  }
0x8a: {  	s1 =	srdreg.scid  }
0x8b: {  	s0 =	sand.u32 $0x1, s1  }
0x8c: {  	s17 =	sshll.u32 s0, $0xA;
	s2 =	sadd.s32 s3, s2  }
0x8d: {  	s2 =	sadd.s32 s2, s17  }
0x8e: {  	[smem:$0x3F97] =	sst s2  }
0x8f: {  	_ = 	snop  }
0x90: {  	s2 =	sld [smem:$0x3FD0];
	(tm) =	ssettm $0x1  }
0x91: {  	s18 =	sld [smem:$0x3FFB];
	_ =	sdelay $0x3  }
0x92: {  	_ =	strace s18  }
0x93: {  	s3 =	sld [smem:$0x3FFC];
	_ =	sdelay $0x3  }
0x94: {  	_ =	strace s3  }
0x95: {  	s3 =	sld [smem:$0x3FFD];
	_ =	sdelay $0x3  }
0x96: {  	_ =	strace s3  }
0x97: {  	_ =	strace $0x8FFFFFFF  }
0x98: {  	s19 =	sld [smem:$0x3FDB];
	_ =	sdelay $0x1  }
0x99: {  	s4 =	simm.s32 $_scs_section_size  }
0x9a: {  	s5 =	simm.s32 $_size__tile_overlayer_lowered;
	s6 =	simm.s32 $_tile_overlayer_lowered  }
0x9b: {  	s22 =	simm.s32 $0x1BFF;
	s21 =	sshll.u32 s6, $0x1;
	s3 =	sadd.s32 s4, s19  }
0x9c: {  	s7 =	simm.s32 $0x0;
	s20 =	sshll.u32 s5, $0x1;
	s5 =	sadd.s32 s21, s3  }
0x9d: {  	[timem:s7], [sflag:s22] =	dma.local [hbm:s5], s20  }
0x9e: {  	_ =	swait.ge [sflag:s22], s20  }
0x9f: {  	s4 =	ssub.s32 $0x0, s20;
	[sflag:s22] =	ssyncset.done $0x0  }
0xa0: {  	[sflag:s22] =	ssyncadd.s32 s4;
	_ =	sdelay $0x1  }
0xa1: {  	s23 =	simm.s32 $0x1B8B  }
0xa2: {  	_ =	swait.ge [sflag:s23], $0x1  }
0xa3: {  	[sflag:s23] =	ssyncset.done $0x0  }
0xa4: {  	s25 =	simm.s32 $0x1B8E;
	s24 =	sld [smem:$0x3FFE];
	[sflag:s23] =	ssyncadd.s32 $0xFFFFFFFF  }
0xa5: {  	s26 =	simm.s32 $execute0_lowered;
	[smem:$0x3FD2] =	sst s25  }
0xa6: {  	s5 =	sshll.u32 s26, $0x1;
	_ =	strace $0x80000046;
	[dreg:$0x1] =	wrdreg $0xFFFFFFFF  }
0xa7: {  	s28 =	simm.s32 $_size_execute0_lowered;
	s3 =	sadd.s32 s3, s5;
	[dreg:$0x0] =	wrdreg $0x0  }
0xa8: {  	s5 =	sshll.u32 s28, $0x1;
	[dreg:$0x2] =	wrdreg s3  }
0xa9: {  	[dreg:$0x3] =	wrdreg s5  }
0xaa: {  	[dreg:$0x4] =	wrdreg $0xC0  }
0xab: {  	_ =	task [dreg:s7], $0x5FFFF  }
0xac: {  	[dreg:$0x1] =	wrdreg $0xFFFFFFFF  }
0xad: {  	[dreg:$0x0] =	wrdreg $0x60  }
0xae: {  	[dreg:$0x2] =	wrdreg s24  }
0xaf: {  	[dreg:$0x3] =	wrdreg s2  }
0xb0: {  	[dreg:$0x4] =	wrdreg $0x9  }
0xb1: {  	_ =	task.clear_ibuf [dreg:s7], $0x5FFFF;
	_ =	strace $0x90000046  }
0xb2: {  	s29 =	simm.s32 $0x9;
	_ =	strace $0x80000048  }
0xb3: {  	_ =	swait.ge [sflag:s29], $0x1  }
0xb4: {  	[sflag:s29] =	ssyncadd.s32 $0xFFFFFFFF  }
0xb5: {  	_ =	strace $0x90000048  }
0xb6: {  	_ =	sfence  }
0xb7: {  	s30 =	sld [smem:$0x0];
	_ =	sdelay $0x2  }
0xb8: {  	s31 =	sshll.u32 s1, $0xD;
	s1 =	sshrl.u32 s1, $0x2  }
0xb9: {  	s3 =	sand.u32 $0x4000, s31;
	s1 =	sadd.s32 s1, s30  }
0xba: {  	s0 =	sor.u32 s3, s0;
	s1 =	sshll.u32 s1, $0x11  }
0xbb: {  	s0 =	sor.u32 s1, s0  }
0xbc: {  	s0 =	sadd.s32 $0x8F2B, s0  }
0xbd: {  	[sflag:s0] =	ssyncadd.remote.s32 $0x1  }
0xbe: {  	_ =	sfence.sel $0xFFFF  }
0xbf: {  	[dreg:$0x0] =	wrdreg $0xFFFFFFFF;
	(pc) =	sbr.abs _section_cstart, $3  }
0xc0: {  	[dreg:$0x1] =	wrdreg $0xFFFFFFFF  }
0xc1: {  	_ =	task.clear_ibuf [dreg:s7], $0x2FFFF;
	_ =	strace $0x9FFFFFFF  }
0xc2: {  	(tm) =	ssettm $0x7FFFFFFF  }
0xc3: {  	_ =	shalt  }
tec
execute0_lowered:
.L_overlay_start_1:
0x0: {  	(tag) =	ssettag $0x1  }
0x1: {  	s0 =	rddreg [dreg:$0x0]  }
0x2: {  	s1 =	rddreg [dreg:$0x1];
	s3 =	simm.s32 $0x0  }
0x3: {  	s2 =	srdreg.scid;
	s4 =	stileid.u32;
	s17 =	simm.s32 $0x2  }
0x4: {  	s28 =	simm.s32 $0x40;
	s29 =	simm.s32 $0x8100;
	s30 =	simm.s32 $0xA100  }
0x5: {  	s31 =	simm.s32 $0xC100;
	s18 =	simm.s32 $0x12100;
	s19 =	simm.s32 $0x1  }
0x6: {  	s20 =	simm.s32 $0x14100;
	s22 =	simm.s32 $0x0;
	[smem:$0x7FF] =	sst s3  }
0x7: {  	s2 =	sand.u32 $0x1, s2;
	s4 =	sshll.u32 s4, $0xC;
	s6 =	sadd.s32 $0x2000, s0  }
0x8: {  	_ =	strace $0x80000047;
	s5 =	sshll.u32 s2, $0xB;
	s2 =	ssub.s32 $0x2, s2  }
0x9: {  	[dreg:$0x3] =	wrdreg s6;
	s4 =	sor.u32 s5, s4;
	s23 =	sshrl.u32 s2, $0x1  }
0xa: {  	s5 =	sshll.u32 s4, $0x4;
	s4 =	sshrl.u32 s4, $0x3;
	s2 =	ssub.s32 s2, s23  }
0xb: {  	s5 =	sadd.s32 s5, s0;
	s0 =	sadd.s32 s4, s0;
	s16 =	smax.u32 s2, $0x1  }
0xc: {  	s2 =	simm.s32 $0x10100;
	s4 =	sadd.s32 $0x2200, s0;
	s24 =	sadd.s32 $0x4200, s0  }
0xd: {  	s25 =	sadd.s32 $0x6200, s0;
	s26 =	sadd.s32 $0x8200, s0;
	s9 =	sadd.s32 $0xA200, s0  }
0xe: {  	s10 =	sadd.s32 $0xC200, s0;
	s11 =	sadd.s32 $0xE200, s0;
	[dreg:$0x4] =	wrdreg s4  }
0xf: {  	s12 =	sadd.s32 $0x10200, s0;
	s13 =	sadd.s32 $0x12200, s0;
	[dreg:$0x5] =	wrdreg s24  }
0x10: {  	s14 =	sadd.s32 $0x16200, s5;
	s15 =	sadd.s32 $0x14200, s0;
	[dreg:$0x6] =	wrdreg s25  }
0x11: {  	s0 =	simm.s32 $0xE100;
	[dreg:$0x7] =	wrdreg s26;
	s26 =	simm.s32 $0x4800  }
.LBB2_1:
0x12: {  	s4 =	rddreg [dreg:$0x4]  }
0x13: {  	[tilespmem:s3], [sflag:$0x2] =	stream.linear.gather [hbm4b:s4+s3], $0x800, $0x38;
	[tilespmem:$0x16100] =	vst v63  }
0x14: {  	_ =	swait.ge [sflag:s17], $0x800  }
0x15: {  	[sflag:s17] =	ssyncset.done $0x0  }
0x16: {  	s5 =	simm.s32 $0x800;
	s8 =	rddreg [dreg:$0x5];
	[sflag:s17] =	ssyncadd.s32 $0xFFFFF800  }
0x17: {  	[tilespmem:s5], [sflag:$0x2] =	stream.linear.gather [hbm4b:s8+s3], $0x800, $0x38;
	[tilespmem:$0x16100] =	vst v63  }
0x18: {  	_ =	swait.ge [sflag:s17], $0x800  }
0x19: {  	[sflag:s17] =	ssyncset.done $0x0  }
0x1a: {  	s23 =	simm.s32 $0x1000;
	s21 =	rddreg [dreg:$0x6];
	[sflag:s17] =	ssyncadd.s32 $0xFFFFF800  }
0x1b: {  	[tilespmem:s23], [sflag:$0x2] =	stream.linear.gather [hbm4b:s21+s3], $0x800, $0x38;
	[tilespmem:$0x16100] =	vst v63  }
0x1c: {  	_ =	swait.ge [sflag:s17], $0x800  }
0x1d: {  	[sflag:s17] =	ssyncset.done $0x0  }
0x1e: {  	s25 =	simm.s32 $0x1800;
	s24 =	rddreg [dreg:$0x7];
	[sflag:s17] =	ssyncadd.s32 $0xFFFFF800  }
0x1f: {  	[tilespmem:s25], [sflag:$0x2] =	stream.linear.gather [hbm4b:s24+s3], $0x800, $0x38;
	[tilespmem:$0x16100] =	vst v63  }
0x20: {  	_ =	swait.ge [sflag:s17], $0x800  }
0x21: {  	[sflag:s17] =	ssyncset.done $0x0  }
0x22: {  	s5 =	simm.s32 $0x2000;
	[sflag:s17] =	ssyncadd.s32 $0xFFFFF800  }
0x23: {  	[tilespmem:s5], [sflag:$0x2] =	stream.linear.gather [hbm4b:s9+s3], $0x800, $0x38;
	[tilespmem:$0x16100] =	vst v63  }
0x24: {  	_ =	swait.ge [sflag:s17], $0x800  }
0x25: {  	[sflag:s17] =	ssyncset.done $0x0  }
0x26: {  	s6 =	simm.s32 $0x2800;
	[sflag:s17] =	ssyncadd.s32 $0xFFFFF800  }
0x27: {  	[tilespmem:s6], [sflag:$0x2] =	stream.linear.gather [hbm4b:s10+s3], $0x800, $0x38;
	[tilespmem:$0x16100] =	vst v63  }
0x28: {  	_ =	swait.ge [sflag:s17], $0x800  }
0x29: {  	[sflag:s17] =	ssyncset.done $0x0  }
0x2a: {  	s7 =	simm.s32 $0x3000;
	[sflag:s17] =	ssyncadd.s32 $0xFFFFF800  }
0x2b: {  	[tilespmem:s7], [sflag:$0x2] =	stream.linear.gather [hbm4b:s11+s3], $0x800, $0x38;
	[tilespmem:$0x16100] =	vst v63  }
0x2c: {  	_ =	swait.ge [sflag:s17], $0x800  }
0x2d: {  	[sflag:s17] =	ssyncset.done $0x0  }
0x2e: {  	s8 =	simm.s32 $0x3800;
	[sflag:s17] =	ssyncadd.s32 $0xFFFFF800  }
0x2f: {  	[tilespmem:s8], [sflag:$0x2] =	stream.linear.gather [hbm4b:s12+s3], $0x800, $0x38;
	[tilespmem:$0x16100] =	vst v63  }
0x30: {  	_ =	swait.ge [sflag:s17], $0x800  }
0x31: {  	[sflag:s17] =	ssyncset.done $0x0  }
0x32: {  	s21 =	simm.s32 $0x4000;
	[sflag:s17] =	ssyncadd.s32 $0xFFFFF800  }
0x33: {  	[tilespmem:s21], [sflag:$0x2] =	stream.linear.gather [hbm4b:s13+s3], $0x800, $0x38;
	[tilespmem:$0x16100] =	vst v63  }
0x34: {  	_ =	swait.ge [sflag:s17], $0x800  }
0x35: {  	[sflag:s17] =	ssyncset.done $0x0  }
0x36: {  	s24 =	simm.s32 $0x0;
	s23 =	rddreg [dreg:$0x3];
	[sflag:s17] =	ssyncadd.s32 $0xFFFFF800  }
0x37: {  	[tilespmem:s26], [sflag:$0x2] =	stream.linear.gather [hbm4b:s23+s3], $0x100, $0x38;
	[tilespmem:$0x16100] =	vst v63  }
0x38: {  	s25 =	smul.u32 $0x600, s24;
	_ =	swait.ge [sflag:s17], $0x100  }
0x39: {  	[sflag:s17] =	ssyncset.done $0x0  }
0x3a: {  	s24 =	sshra.s32 s25, $0x2;
	s25 =	simm.s32 $0x0;
	[sflag:s17] =	ssyncadd.s32 $0xFFFFFF00  }
0x3b: {  	v0 =	vld [tilespmem:s25+$0x3800];
	_ =	sdelay $0x3  }
0x3c: {  	s4 =	simm.s32 $0x40  }
0x3d: {  	s5 =	simm.s32 $0x0;
	s6 =	simm.s32 $0x0;
	s21 =	simm.s32 $0x0  }
.LBB2_2:
0x3e: {  	p0 =	sne.s32 s4, $0x1FC0;
	v1 =	vld [tilespmem:s25+$0x3000];
	s5 =	sadd.s32 $0x1, s5;
	s6 =	sadd.s32 $0x10, s6  }
0x3f: {  	s7 =	smov.u32 s4;
	s4 =	sadd.s32 $0x40, s4;
	s23 =	sshrl.u32 s5, $0x2;
	v2 =	vld [tilespmem:s25+$0x2800]  }
0x40: {  	s23 =	smul.u32 $0x600, s23;
	v3 =	vld.idx.msk [tilespmem:v0+s26+$0x0], $0xffff  }
0x41: {  	v4 =	vld [tilespmem:s25+$0x4000]  }
0x42: {  	s23 =	sshra.s32 s23, $0x2;
	v5 =	vld [tilespmem:s25+$0x2000]  }
0x43: {  	s7 =	sshra.s32 s7, $0x2;
	v6 =	vld [tilespmem:s25+$0x800]  }
0x44: {  	v7 =	vld [tilespmem:s25+$0x1800]  }
0x45: {  	v8 =	vld [tilespmem:s25+$0x0]  }
0x46: {  	v9 =	vcvt.s32.f32 v3;
	vm0 =	veq.s32 v3, $0x3;
	vm1 =	veq.s32 v3, $0x4  }
0x47: {  	v10 =	vshll.u32 v3, $0x8;
	vm2 =	veq.s32 v3, $0x2;
	v11 =	vsel vm1, v5, v4  }
0x48: {  	vm3 =	vlt.s32 v3, $0x2;
	v3 =	vadd.s32 v10, v0;
	v12 =	vld [tilespmem:s25+$0x1000];
	v2 =	vsel vm0, v2, v6  }
0x49: {  	s8 =	sand.u32 $0x30, s21;
	s21 =	smov.u32 s6;
	v3 =	vadd.s32 $0x1900, v3;
	[tilespmem:s25+$0x7900] =	vst v9;
	v2 =	vsel vm3, v4, v2;
	v4 =	vsel vm0, v7, v4;
	s25 =	smov.u32 s7  }
0x4a: {  	v6 =	vsel vm3, v0, v11;
	s7 =	sor.u32 s8, s24;
	s24 =	smov.u32 s23;
	v1 =	vsel vm0, v1, v8;
	v2 =	vadd.s32 v2, v10  }
0x4b: {  	v6 =	vadd.s32 v6, v10;
	v1 =	vadd.s32 v10, v1;
	v2 =	vadd.s32 $0x500, v2;
	[tilespmem:s7+$0x4A40] =	vst v3  }
0x4c: {  	v0 =	vsel vm2, v0, v4;
	v3 =	vsel vm1, v7, v5;
	[tilespmem:s7+$0x4900] =	vst v1;
	v1 =	vadd.s32 $0xF00, v6  }
0x4d: {  	v0 =	vadd.s32 v0, v10;
	v3 =	vsel vm2, v12, v3;
	[tilespmem:s7+$0x4940] =	vst v2  }
0x4e: {  	v0 =	vadd.s32 $0x1400, v0;
	v2 =	vadd.s32 v3, v10;
	[tilespmem:s7+$0x49C0] =	vst v1  }
0x4f: {  	v1 =	vadd.s32 $0xA00, v2;
	[tilespmem:s7+$0x4A00] =	vst v0  }
0x50: {  	[tilespmem:s7+$0x4980] =	vst v1  }
0x51: {  	v0 =	vld [tilespmem:s25+$0x3800]  }
.Ltmp0:
0x52: {  	(pc) =	sbr.rel @p0 .LBB2_2-.Ltmp0, $2  }
0x53: {  	_ =	sdelay $0x2  }
0x54: {  	s23 =	simm.s32 $0x0  }
0x55: {  	_ =	sdelay $0x1  }
0x56: {  	v1 =	vld [tilespmem:s25+$0x3000]  }
0x57: {  	v2 =	vld [tilespmem:s25+$0x2800]  }
0x58: {  	v3 =	vld.idx.msk [tilespmem:v0+s26+$0x0], $0xffff  }
0x59: {  	v4 =	vld [tilespmem:s25+$0x4000]  }
0x5a: {  	v5 =	vld [tilespmem:s25+$0x2000]  }
0x5b: {  	v6 =	vld [tilespmem:s25+$0x800]  }
0x5c: {  	v7 =	vld [tilespmem:s25+$0x1800]  }
0x5d: {  	v8 =	vld [tilespmem:s25+$0x0];
	_ =	sdelay $0x1  }
0x5e: {  	v9 =	vcvt.s32.f32 v3;
	vm0 =	veq.s32 v3, $0x3  }
0x5f: {  	v12 =	vld [tilespmem:s25+$0x1000];
	vm1 =	veq.s32 v3, $0x4;
	v10 =	vshll.u32 v3, $0x8;
	vm2 =	veq.s32 v3, $0x2  }
0x60: {  	vm3 =	vlt.s32 v3, $0x2;
	v11 =	vsel vm1, v5, v4;
	v2 =	vsel vm0, v2, v6  }
0x61: {  	s4 =	sand.u32 $0x30, s21;
	v56 =	vadd.s32 v10, v0;
	v1 =	vsel vm0, v1, v8;
	v5 =	vsel vm1, v7, v5  }
0x62: {  	s4 =	sor.u32 s4, s24;
	v2 =	vsel vm3, v4, v2;
	v4 =	vsel vm0, v7, v4;
	[tilespmem:s25+$0x7900] =	vst v9;
	v3 =	vadd.s32 $0x1900, v56  }
0x63: {  	v57 =	vsel vm3, v0, v11;
	v1 =	vadd.s32 v10, v1;
	v2 =	vadd.s32 v2, v10;
	[tilespmem:s4+$0x4A40] =	vst v3  }
0x64: {  	v61 =	vsel vm2, v12, v5;
	v58 =	vadd.s32 v57, v10;
	[tilespmem:s4+$0x4900] =	vst v1;
	v2 =	vadd.s32 $0x500, v2  }
0x65: {  	v59 =	vsel vm2, v0, v4;
	v62 =	vadd.s32 v61, v10;
	v60 =	vadd.s32 $0xF00, v58;
	[tilespmem:s4+$0x4940] =	vst v2  }
0x66: {  	v0 =	vadd.s32 v59, v10;
	v63 =	vadd.s32 $0xA00, v62;
	[tilespmem:s4+$0x49C0] =	vst v60  }
0x67: {  	v0 =	vadd.s32 $0x1400, v0;
	[tilespmem:s4+$0x4980] =	vst v63  }
0x68: {  	[tilespmem:s4+$0x4A00] =	vst v0  }
.LBB2_4:
0x69: {  	s4 =	smul.u32 $0x600, s23;
	_ =	sdelay $0x1  }
0x6a: {  	s4 =	sshra.s32 s4, $0x2  }
0x6b: {  	s5 =	sadd.s32 $0x4900, s4  }
0x6c: {  	[tilespmem:s29], [sflag:$0x1] =	stream.indirect.gather [hbm4b:s1+s28], $0x80, s5, s28, $0xb8;
	[tilespmem:$0x16100] =	vst v63  }
0x6d: {  	s8 =	sadd.s32 $0x4940, s4  }
0x6e: {  	[tilespmem:s30], [sflag:$0x1] =	stream.indirect.gather [hbm4b:s1+s28], $0x80, s8, s28, $0xb8;
	[tilespmem:$0x16100] =	vst v63  }
0x6f: {  	s21 =	sadd.s32 $0x4980, s4  }
0x70: {  	[tilespmem:s31], [sflag:$0x1] =	stream.indirect.gather [hbm4b:s1+s28], $0x80, s21, s28, $0xb8;
	[tilespmem:$0x16100] =	vst v63  }
0x71: {  	s24 =	sadd.s32 $0x49C0, s4  }
0x72: {  	[tilespmem:s0], [sflag:$0x1] =	stream.indirect.gather [hbm4b:s1+s28], $0x80, s24, s28, $0xb8;
	[tilespmem:$0x16100] =	vst v63  }
0x73: {  	s25 =	sadd.s32 $0x4A00, s4  }
0x74: {  	[tilespmem:s2], [sflag:$0x1] =	stream.indirect.gather [hbm4b:s1+s28], $0x80, s25, s28, $0xb8;
	[tilespmem:$0x16100] =	vst v63  }
0x75: {  	s4 =	sadd.s32 $0x4A40, s4  }
0x76: {  	[tilespmem:s18], [sflag:$0x1] =	stream.indirect.gather [hbm4b:s1+s28], $0x80, s4, s28, $0xb8;
	[tilespmem:$0x16100] =	vst v63  }
0x77: {  	_ =	swait.ge [sflag:s19], $0x2000  }
0x78: {  	[sflag:s19] =	ssyncset.done $0x0  }
0x79: {  	[sflag:s19] =	ssyncadd.s32 $0xFFFFE000  }
0x7a: {  	_ =	swait.ge [sflag:s19], $0x2000  }
0x7b: {  	[sflag:s19] =	ssyncset.done $0x0  }
0x7c: {  	[sflag:s19] =	ssyncadd.s32 $0xFFFFE000  }
0x7d: {  	_ =	swait.ge [sflag:s19], $0x2000  }
0x7e: {  	[sflag:s19] =	ssyncset.done $0x0  }
0x7f: {  	[sflag:s19] =	ssyncadd.s32 $0xFFFFE000  }
0x80: {  	_ =	swait.ge [sflag:s19], $0x2000  }
0x81: {  	[sflag:s19] =	ssyncset.done $0x0  }
0x82: {  	[sflag:s19] =	ssyncadd.s32 $0xFFFFE000  }
0x83: {  	_ =	swait.ge [sflag:s19], $0x2000  }
0x84: {  	[sflag:s19] =	ssyncset.done $0x0  }
0x85: {  	[sflag:s19] =	ssyncadd.s32 $0xFFFFE000  }
0x86: {  	_ =	swait.ge [sflag:s19], $0x2000  }
0x87: {  	[sflag:s19] =	ssyncset.done $0x0  }
0x88: {  	s5 =	simm.s32 $0x0;
	[sflag:s19] =	ssyncadd.s32 $0xFFFFE000  }
0x89: {  	v0 =	vld [tilespmem:s5+$0x8100]  }
0x8a: {  	v1 =	vld [tilespmem:s5+$0xA100];
	_ =	sdelay $0x1  }
0x8b: {  	v2 =	vld [tilespmem:s5+$0xC100]  }
0x8c: {  	s4 =	simm.s32 $0x10;
	v4 =	vld [tilespmem:s5+$0xE100]  }
0x8d: {  	v5 =	vld [tilespmem:s4+$0x8100]  }
0x8e: {  	v6 =	vld [tilespmem:s4+$0xA100];
	v0 =	vadd.f32 v1, v0  }
0x8f: {  	v3 =	vld [tilespmem:s5+$0x10100]  }
0x90: {  	v8 =	vld [tilespmem:s4+$0xC100];
	v0 =	vadd.f32 v2, v0  }
0x91: {  	v7 =	vld [tilespmem:s5+$0x12100]  }
0x92: {  	v9 =	vld [tilespmem:s4+$0xE100];
	v0 =	vadd.f32 v4, v0  }
0x93: {  	s6 =	simm.s32 $0x20;
	v1 =	vld [tilespmem:s4+$0x10100];
	v5 =	vadd.f32 v6, v5  }
0x94: {  	v2 =	vld [tilespmem:s6+$0x8100];
	v3 =	vadd.f32 v3, v0  }
0x95: {  	v6 =	vadd.f32 v8, v5;
	v5 =	vld [tilespmem:s6+$0xC100]  }
0x96: {  	v4 =	vld [tilespmem:s6+$0xA100];
	v7 =	vadd.f32 v7, v3  }
0x97: {  	v0 =	vld [tilespmem:s4+$0x12100]  }
0x98: {  	s21 =	simm.s32 $0xC0;
	v6 =	vadd.f32 v9, v6;
	v3 =	vld [tilespmem:s6+$0x10100];
	v7 =	vmax.f32 v7, $0.0e+00  }
.LBB2_5:
0x99: {  	v8 =	vld [tilespmem:s6+$0xE100];
	[tilespmem:s5+$0x14100] =	vst v7;
	s5 =	smov.u32 s4  }
0x9a: {  	s4 =	smov.u32 s6;
	s6 =	sshra.s32 s21, $0x2;
	p0 =	sne.s32 s21, $0x7FC0  }
.Ltmp1:
0x9b: {  	s21 =	sadd.s32 $0x40, s21;
	v7 =	vadd.f32 v4, v2;
	v2 =	vld [tilespmem:s6+$0x8100];
	v9 =	vadd.f32 v1, v6;
	(pc) =	sbr.rel @p0 .LBB2_5-.Ltmp1, $4  }
0x9c: {  	v4 =	vld [tilespmem:s6+$0xA100]  }
0x9d: {  	v6 =	vadd.f32 v5, v7;
	v7 =	vadd.f32 v0, v9;
	v0 =	vld [tilespmem:s4+$0x12100]  }
0x9e: {  	v5 =	vld [tilespmem:s6+$0xC100];
	v1 =	vmov v3  }
0x9f: {  	v3 =	vld [tilespmem:s6+$0x10100];
	v6 =	vadd.f32 v8, v6;
	v7 =	vmax.f32 v7, $0.0e+00  }
0xa0: {  	v8 =	vld [tilespmem:s6+$0xE100]  }
0xa1: {  	v2 =	vadd.f32 v4, v2;
	_ =	sdelay $0x1  }
0xa2: {  	[tilespmem:s5+$0x14100] =	vst v7;
	v2 =	vadd.f32 v5, v2  }
0xa3: {  	v61 =	vld [tilespmem:s6+$0x12100]  }
0xa4: {  	v2 =	vadd.f32 v8, v2  }
0xa5: {  	v1 =	vadd.f32 v1, v6  }
0xa6: {  	v2 =	vadd.f32 v3, v2  }
0xa7: {  	v0 =	vadd.f32 v0, v1  }
0xa8: {  	v62 =	vadd.f32 v61, v2  }
0xa9: {  	s25 =	sshll.u32 s23, $0xA;
	s23 =	sadd.s32 $0x1, s23;
	v0 =	vmax.f32 v0, $0.0e+00  }
0xaa: {  	p0 =	sne.s32 s23, $0x20;
	[tilespmem:s4+$0x14100] =	vst v0;
	v63 =	vmax.f32 v62, $0.0e+00  }
.Ltmp2:
0xab: {  	s4 =	sadd.s32 s25, s14;
	[tilespmem:s6+$0x14100] =	vst v63;
	(pc) =	sbr.rel @p0 .LBB2_4-.Ltmp2, $4  }
0xac: {  	[hbm4b:s4+s3] =	stream.linear.scatter [tilespmem:s20], [sflag:$0x2], $0x2000, $0x38;
	[tilespmem:$0x16100] =	vst v63  }
0xad: {  	_ =	swait.ge [sflag:s17], $0x2000  }
0xae: {  	[sflag:s17] =	ssyncset.done $0x0  }
0xaf: {  	[sflag:s17] =	ssyncadd.s32 $0xFFFFE000  }
0xb0: {  	s22 =	sadd.s32 $0x1, s22  }
0xb1: {  	p0 =	sne.s32 s22, s16  }
.Ltmp3:
0xb2: {  	s4 =	simm.s32 $0x7900;
	(pc) =	sbr.rel @p0 .LBB2_1-.Ltmp3, $4  }
0xb3: {  	[hbm4b:s15+s3] =	stream.linear.scatter [tilespmem:s4], [sflag:$0x2], $0x800, $0x38;
	[tilespmem:$0x16100] =	vst v63  }
0xb4: {  	_ =	swait.ge [sflag:s17], $0x800  }
0xb5: {  	[sflag:s17] =	ssyncset.done $0x0  }
0xb6: {  	[sflag:s17] =	ssyncadd.s32 $0xFFFFF800  }
0xb7: {  	_ =	sfence.sel $0x180000  }
0xb8: {  	[bflag:$0x0] =	sbarrier.arrive $0xFFFF  }
0xb9: {  	_ =	strace $0x90000047  }
0xba: {  	s0 =	stileid.u32;
	[bflag:$0x2] =	sbarrier.arrive $0xFFFF  }
0xbb: {  	p0 =	sne.s32 s0, $0x0;
	s0 =	rddreg [dreg:$0x2]  }
0xbc: {  	s0 =	sadd.s32 @!p0 $0x100000, s0  }
0xbd: {  	[sflag:s0] =	ssyncadd.tile.s32 @!p0 $0x1;
	_ =	shalt  }
.Lfunc_end2:
_tile_overlayer_lowered:
.L_overlay_start_2:
0xbe: {  	(tag) =	ssettag $0x2  }
0xbf: {  	s0 =	rddreg [dreg:$0x0];
	s2 =	stileid.u32  }
0xc0: {  	s1 =	rddreg [dreg:$0x1];
	p0 =	sne.s32 s2, $0x0  }
0xc1: {  	s3 =	rddreg [dreg:$0x2];
	[bflag:$0x3] =	sbarrier.arrive $0xFFFF;
	s2 =	simm.s32 @!p0 $0x1C02  }
0xc2: {  	[timem:s3], [sflag:s2] =	dma.local @!p0 [hbm:s0], s1  }
0xc3: {  	s0 =	simm.s32 @!p0 $0x2  }
0xc4: {  	_ =	swait.ge @!p0 [sflag:s0], s1  }
0xc5: {  	s1 =	ssub.s32 @!p0 $0x0, s1;
	[sflag:s0] =	ssyncset.done @!p0 $0x0  }
0xc6: {  	[sflag:s0] =	ssyncadd.s32 @!p0 s1  }
0xc7: {  	[bflag:$0x3] =	sbarrier.arrive $0xFFFF  }
0xc8: {  	_ =	shalt  }

</sc_bundles>
